<compile_context>
chip_gen: v7x
topology: tpu7x:2x2x1
jax: 0.10.2.dev20260603
libtpu: 0.0.44.dev20260713+nightly
codegen_flags: <defaults>
</compile_context>

<pallas_src>
import functools

import jax
import jax.numpy as jnp
from jax import lax
from jax.experimental import pallas as pl
from jax.experimental.pallas import tpu as pltpu
from jax.experimental.pallas import tpu_sc as plsc

W = 1280
H = 720
HP = 768
WHP = W * HP
BIG = float(1 << 22)

NC = 2
NS = 16
NW = NC * NS

CHUNK = 4096
ROWS = CHUNK // 128
SLICE = WHP // NS
ZCH = 7680


def _sc_scatter(events_x, events_y, events_polarity):
    n = events_x.shape[0]
    pw = n // NW
    nch = -(-pw // CHUNK)
    last_off = pw - CHUNK

    mesh = plsc.VectorSubcoreMesh(core_axis_name="c", subcore_axis_name="s")

    @functools.partial(
        pl.kernel,
        mesh=mesh,
        out_type=jax.ShapeDtypeStruct((NC, W, HP), jnp.float32),
        scratch_types=[
            pltpu.VMEM((2 * CHUNK,), jnp.int32),
            pltpu.VMEM((2 * CHUNK,), jnp.int32),
            pltpu.VMEM((2 * CHUNK,), jnp.int32),
            pltpu.VMEM((ROWS, 128), jnp.int32),
            pltpu.VMEM((ROWS, 128), jnp.float32),
            pltpu.VMEM((ROWS, 128), jnp.int32),
            pltpu.VMEM((ROWS, 128), jnp.float32),
            pltpu.VMEM((ZCH,), jnp.float32),
            pltpu.VMEM_SHARED((WHP,), jnp.float32),
            pltpu.SemaphoreType.DMA,
            pltpu.SemaphoreType.DMA,
            pltpu.SemaphoreType.DMA,
        ],
    )
    def body(exr, eyr, epr, outr, xv, yv, pv, idxb0, valb0, idxb1, valb1,
             zbuf, acc, sem_ev, sem_sc0, sem_sc1):
        c = lax.axis_index("c")
        s = lax.axis_index("s")
        wid = c * NS + s
        base = wid * pw

        def fire_events(i):
            off = base + jnp.minimum(i * CHUNK, last_off)
            off = pl.multiple_of((off >> 3) << 3, 8)
            sb = lax.rem(i, 2) * CHUNK
            pltpu.async_copy(exr.at[pl.ds(off, CHUNK)],
                             xv.at[pl.ds(sb, CHUNK)], sem_ev)
            pltpu.async_copy(eyr.at[pl.ds(off, CHUNK)],
                             yv.at[pl.ds(sb, CHUNK)], sem_ev)
            pltpu.async_copy(epr.at[pl.ds(off, CHUNK)],
                             pv.at[pl.ds(sb, CHUNK)], sem_ev)

        def wait_events():
            pltpu.make_async_copy(exr.at[pl.ds(0, CHUNK)],
                                  xv.at[pl.ds(0, CHUNK)], sem_ev).wait()
            pltpu.make_async_copy(eyr.at[pl.ds(0, CHUNK)],
                                  yv.at[pl.ds(0, CHUNK)], sem_ev).wait()
            pltpu.make_async_copy(epr.at[pl.ds(0, CHUNK)],
                                  pv.at[pl.ds(0, CHUNK)], sem_ev).wait()

        fire_events(0)

        z16 = jnp.zeros((16,), jnp.float32)

        def zfill(k, _):
            zbuf[pl.ds(k * 16, 16)] = z16
            return 0

        lax.fori_loop(0, ZCH // 16, zfill, 0)

        def zfire(k, _):
            pltpu.async_copy(zbuf, acc.at[pl.ds(s * SLICE + k * ZCH, ZCH)],
                             sem_sc0)
            return 0

        lax.fori_loop(0, SLICE // ZCH, zfire, 0)

        def zdrain(k, _):
            pltpu.make_async_copy(zbuf, acc.at[pl.ds(0, ZCH)],
                                  sem_sc0).wait()
            return 0

        lax.fori_loop(0, SLICE // ZCH, zdrain, 0)
        plsc.subcore_barrier()

        def drain_scatters(idxb, valb, sem):
            def drain(j, _):
                pltpu.make_async_copy(valb.at[0], acc.at[idxb.at[0]],
                                      sem).wait()
                return 0

            lax.fori_loop(0, ROWS, drain, 0)

        def do_chunk(i, idxb, valb, sem, first):
            sb = lax.rem(i, 2) * CHUNK
            wait_events()

            @pl.when(i + 1 < nch)
            def _():
                fire_events(i + 1)

            if not first:
                @pl.when(i >= 2)
                def _():
                    drain_scatters(idxb, valb, sem)
            else:
                drain_scatters(idxb, valb, sem)

            def row(j, _):
                for t in range(8):
                    sl = pl.ds(sb + j * 128 + t * 16, 16)
                    xx = xv[sl]
                    yy = yv[sl]
                    pp = pv[sl]
                    idx = xx * HP + yy
                    val = jnp.where(pp == 0, jnp.float32(1.0),
                                    jnp.float32(BIG))
                    idxb[j, pl.ds(t * 16, 16)] = idx
                    valb[j, pl.ds(t * 16, 16)] = val
                pltpu.async_copy(valb.at[j], acc.at[idxb.at[j]], sem,
                                 add=True)
                return 0

            lax.fori_loop(0, ROWS, row, 0)

        def pair(k, _):
            do_chunk(2 * k, idxb0, valb0, sem_sc0, first=False)
            do_chunk(2 * k + 1, idxb1, valb1, sem_sc1, first=False)
            return 0

        lax.fori_loop(0, nch // 2, pair, 0)
        drain_scatters(idxb0, valb0, sem_sc0)
        drain_scatters(idxb1, valb1, sem_sc1)
        plsc.subcore_barrier()

        rpw = W // NS

        def prow(r, _):
            pltpu.async_copy(acc.at[pl.ds((s * rpw + r) * HP, HP)],
                             outr.at[c, s * rpw + r], sem_ev)
            return 0

        lax.fori_loop(0, rpw, prow, 0)

        def drow(r, _):
            pltpu.make_async_copy(acc.at[pl.ds(0, HP)], outr.at[c, 0],
                                  sem_ev).wait()
            return 0

        lax.fori_loop(0, rpw, drow, 0)

    return body(events_x, events_y, events_polarity)


def _merge_body(a_ref, o_ref):
    t = a_ref[0, :, :H] + a_ref[1, :, :H]
    o_ref[...] = jnp.where(
        t >= jnp.float32(BIG), 255, jnp.where(t > 0, 0, 127)
    ).astype(jnp.uint8)


def _merge(acc):
    bx = 640
    return pl.pallas_call(
        _merge_body,
        grid=(W // bx,),
        in_specs=[pl.BlockSpec((NC, bx, HP), lambda i: (0, i, 0))],
        out_specs=pl.BlockSpec((bx, H), lambda i: (i, 0)),
        out_shape=jax.ShapeDtypeStruct((W, H), jnp.uint8),
    )(acc)


def kernel(events_x, events_y, events_polarity):
    acc = _sc_scatter(events_x, events_y, events_polarity)
    return _merge(acc)

# --- scband reference (transcript-rebuilt; emitter-appended) ---
"""Pipeline reference for scband-img-only-onnx-13322988552662 (READ-ONLY COPY).

The authoritative reference and input builder live on the scoring server;
editing this copy changes nothing except your own understanding.
"""

import jax, jax.numpy as jnp
import numpy as np

W, H = 1280, 720  # camera.getEventResolution()
N = 2_000_000

def setup_inputs(seed: int = 0) -> dict:
    key = jax.random.key(seed)
    k1, k2, k3 = jax.random.split(key, 3)
    events_x = jax.random.randint(k1, (N,), 0, W, dtype=jnp.int32)
    events_y = jax.random.randint(k2, (N,), 0, H, dtype=jnp.int32)
    events_polarity = jax.random.randint(k3, (N,), 0, 2, dtype=jnp.int32)
    return {"events_x": events_x, "events_y": events_y, "events_polarity": events_polarity}

def reference(events_x, events_y, events_polarity):
    # pic buffer initialized to 127 (gray), as in __init__
    pic = jnp.full((W, H), 127, dtype=jnp.uint8)
    # Phase 1: polarity == 0 events write 0. Masked-out events are redirected
    # to an out-of-bounds row index and dropped (mode='drop'), which is the
    # jit-safe equivalent of torch boolean-mask indexing.
    x0 = jnp.where(events_polarity == 0, events_x, W)
    pic = pic.at[x0, events_y].set(jnp.uint8(0), mode='drop')
    # Phase 2: polarity == 1 events write 255 (applied second, so pixels hit
    # by both polarities end up 255, matching torch assignment order).
    x1 = jnp.where(events_polarity == 1, events_x, W)
    pic = pic.at[x1, events_y].set(jnp.uint8(255), mode='drop')
    return pic

if __name__ == "__main__":
    import jax
    _d = setup_inputs()
    print(jax.jit(kernel)(*tuple(_d.values())))

</pallas_src>

<mosaic_0001>
#map = affine_map<(d0, d1) -> (0)>
#map1 = affine_map<(d0, d1) -> (0, 0, 0)>
module attributes {stable_mosaic.version = 14 : i64} {
  func.func @body(%arg0: i32, %arg1: i32, %arg2: memref<2000000xi32, #tpu.memory_space<hbm>>, %arg3: memref<2000000xi32, #tpu.memory_space<hbm>>, %arg4: memref<2000000xi32, #tpu.memory_space<hbm>>, %arg5: memref<2x1280x768xf32, #tpu.memory_space<hbm>>, %arg6: memref<8192xi32, #tpu.memory_space<vmem>>, %arg7: memref<8192xi32, #tpu.memory_space<vmem>>, %arg8: memref<8192xi32, #tpu.memory_space<vmem>>, %arg9: memref<32x128xi32, #tpu.memory_space<vmem>>, %arg10: memref<32x128xf32, #tpu.memory_space<vmem>>, %arg11: memref<32x128xi32, #tpu.memory_space<vmem>>, %arg12: memref<32x128xf32, #tpu.memory_space<vmem>>, %arg13: memref<7680xf32, #tpu.memory_space<vmem>>, %arg14: memref<983040xf32, #tpu.memory_space<vmem_shared>>, %arg15: memref<!tpu.dma_semaphore, #tpu.memory_space<semaphore_mem>>, %arg16: memref<!tpu.dma_semaphore, #tpu.memory_space<semaphore_mem>>, %arg17: memref<!tpu.dma_semaphore, #tpu.memory_space<semaphore_mem>>) attributes {dimension_semantics = [#tpu.dimension_semantics<core_parallel>, #tpu.dimension_semantics<subcore_parallel>], iteration_bounds = array<i64: 2, 16>, scalar_prefetch = 0 : i64, scratch_operands = 12 : i64, tpu.core_type = #tpu.core_type<sc_vector_subcore>, window_params = [{transform_indices = #map}, {transform_indices = #map}, {transform_indices = #map}, {transform_indices = #map1}]} {
    %mul3A = arith.constant 16 : i32
    %mul3A_0 = arith.muli %arg0, %mul3A : i32
    %add3A = arith.addi %mul3A_0, %arg1 : i32
    %mul3A_1 = arith.constant 62500 : i32
    %mul3A_2 = arith.muli %add3A, %mul3A_1 : i32
    %min3A = arith.constant 0 : i32
    %min3A_3 = arith.constant 58404 : i32
    %min3A_4 = arith.minsi %min3A, %min3A_3 : i32
    %add3A_5 = arith.addi %mul3A_2, %min3A_4 : i32
    %shift_right_arithmetic3A = arith.constant 3 : i32
    %shift_right_arithmetic3A_6 = arith.shrsi %add3A_5, %shift_right_arithmetic3A : i32
    %shift_left3A = arith.constant 3 : i32
    %shift_left3A_7 = arith.shli %shift_right_arithmetic3A_6, %shift_left3A : i32
    %multiple_of3A = tpu.assume_multiple %shift_left3A_7, 8 : i32
    %rem3A = arith.constant 0 : i32
    %rem3A_8 = arith.constant 2 : i32
    %rem3A_9 = arith.remsi %rem3A, %rem3A_8 : i32
    %mul3A_10 = arith.constant 4096 : i32
    %mul3A_11 = arith.muli %rem3A_9, %mul3A_10 : i32
    %dma_start3A = tpu.memref_slice %arg6[%mul3A_11] : memref<8192xi32, #tpu.memory_space<vmem>> -> memref<4096xi32, #tpu.memory_space<vmem>>
    %dma_start3A_12 = tpu.memref_slice %arg2[%multiple_of3A] : memref<2000000xi32, #tpu.memory_space<hbm>> -> memref<4096xi32, #tpu.memory_space<hbm>>
    %dma_start3A_13 = tpu.memref_slice %arg6[%mul3A_11] : memref<8192xi32, #tpu.memory_space<vmem>> -> memref<4096xi32, #tpu.memory_space<vmem>>
    %dma_start3A_14 = tpu.memref_slice %arg2[%multiple_of3A] : memref<2000000xi32, #tpu.memory_space<hbm>> -> memref<4096xi32, #tpu.memory_space<hbm>>
    tpu.enqueue_dma source(%dma_start3A_14 : memref<4096xi32, #tpu.memory_space<hbm>>) target(%dma_start3A_13 : memref<4096xi32, #tpu.memory_space<vmem>>) target_semaphore(%arg15 : memref<!tpu.dma_semaphore, #tpu.memory_space<semaphore_mem>>)
    %dma_start3A_15 = tpu.memref_slice %arg7[%mul3A_11] : memref<8192xi32, #tpu.memory_space<vmem>> -> memref<4096xi32, #tpu.memory_space<vmem>>
    %dma_start3A_16 = tpu.memref_slice %arg3[%multiple_of3A] : memref<2000000xi32, #tpu.memory_space<hbm>> -> memref<4096xi32, #tpu.memory_space<hbm>>
    %dma_start3A_17 = tpu.memref_slice %arg7[%mul3A_11] : memref<8192xi32, #tpu.memory_space<vmem>> -> memref<4096xi32, #tpu.memory_space<vmem>>
    %dma_start3A_18 = tpu.memref_slice %arg3[%multiple_of3A] : memref<2000000xi32, #tpu.memory_space<hbm>> -> memref<4096xi32, #tpu.memory_space<hbm>>
    tpu.enqueue_dma source(%dma_start3A_18 : memref<4096xi32, #tpu.memory_space<hbm>>) target(%dma_start3A_17 : memref<4096xi32, #tpu.memory_space<vmem>>) target_semaphore(%arg15 : memref<!tpu.dma_semaphore, #tpu.memory_space<semaphore_mem>>)
    %dma_start3A_19 = tpu.memref_slice %arg8[%mul3A_11] : memref<8192xi32, #tpu.memory_space<vmem>> -> memref<4096xi32, #tpu.memory_space<vmem>>
    %dma_start3A_20 = tpu.memref_slice %arg4[%multiple_of3A] : memref<2000000xi32, #tpu.memory_space<hbm>> -> memref<4096xi32, #tpu.memory_space<hbm>>
    %dma_start3A_21 = tpu.memref_slice %arg8[%mul3A_11] : memref<8192xi32, #tpu.memory_space<vmem>> -> memref<4096xi32, #tpu.memory_space<vmem>>
    %dma_start3A_22 = tpu.memref_slice %arg4[%multiple_of3A] : memref<2000000xi32, #tpu.memory_space<hbm>> -> memref<4096xi32, #tpu.memory_space<hbm>>
    tpu.enqueue_dma source(%dma_start3A_22 : memref<4096xi32, #tpu.memory_space<hbm>>) target(%dma_start3A_21 : memref<4096xi32, #tpu.memory_space<vmem>>) target_semaphore(%arg15 : memref<!tpu.dma_semaphore, #tpu.memory_space<semaphore_mem>>)
    %broadcast_in_dim3A = arith.constant 0.000000e+00 : f32
    %broadcast_in_dim3A_23 = vector.broadcast %broadcast_in_dim3A : f32 to vector<16xf32>
    %scan3A = arith.constant 0 : i32
    %scan3A_24 = arith.constant 0 : i32
    %scan3A_25 = arith.constant 480 : i32
    %scan3A_26 = arith.addi %scan3A_24, %scan3A_25 : i32
    %scan3A_27 = arith.constant 1 : i32
    %scan3A_28 = scf.for %scan3A_80 = %scan3A_24 to %scan3A_26 step %scan3A_27 iter_args(%scan3A_81 = %scan3A) -> (i32)  : i32 {
      %mul3A_82 = arith.constant 16 : i32
      %mul3A_83 = arith.muli %scan3A_80, %mul3A_82 : i32
      %swap3A = arith.index_cast %mul3A_83 : i32 to index
      %swap3A_84 = tpu.vector_load %arg13[%swap3A] {strides = array<i32>} : memref<7680xf32, #tpu.memory_space<vmem>>, vector<16xf32>,
      %swap3A_85 = vector.shape_cast %swap3A_84 : vector<16xf32> to vector<16xf32>
      %swap3A_86 = vector.shape_cast %broadcast_in_dim3A_23 : vector<16xf32> to vector<16xf32>
      tpu.vector_store %arg13[%swap3A], %swap3A_86 {strides = array<i32>} : memref<7680xf32, #tpu.memory_space<vmem>>, vector<16xf32>,
      %scan3A_87 = arith.constant 0 : i32
      scf.yield %scan3A_87 : i32
    }
    %scan3A_29 = arith.constant 480 : i32
    %scan3A_30 = arith.constant 0 : i32
    %scan3A_31 = arith.constant 0 : i32
    %scan3A_32 = arith.constant 8 : i32
    %scan3A_33 = arith.addi %scan3A_31, %scan3A_32 : i32
    %scan3A_34 = arith.constant 1 : i32
    %scan3A_35 = scf.for %scan3A_80 = %scan3A_31 to %scan3A_33 step %scan3A_34 iter_args(%scan3A_81 = %scan3A_30) -> (i32)  : i32 {
      %mul3A_82 = arith.constant 61440 : i32
      %mul3A_83 = arith.muli %arg1, %mul3A_82 : i32
      %mul3A_84 = arith.constant 7680 : i32
      %mul3A_85 = arith.muli %scan3A_80, %mul3A_84 : i32
      %add3A_86 = arith.addi %mul3A_83, %mul3A_85 : i32
      %dma_start3A_87 = tpu.memref_slice %arg14[%add3A_86] : memref<983040xf32, #tpu.memory_space<vmem_shared>> -> memref<7680xf32, #tpu.memory_space<vmem_shared>>
      %dma_start3A_88 = tpu.memref_slice %arg14[%add3A_86] : memref<983040xf32, #tpu.memory_space<vmem_shared>> -> memref<7680xf32, #tpu.memory_space<vmem_shared>>
      tpu.enqueue_dma source(%arg13 : memref<7680xf32, #tpu.memory_space<vmem>>) target(%dma_start3A_88 : memref<7680xf32, #tpu.memory_space<vmem_shared>>) target_semaphore(%arg16 : memref<!tpu.dma_semaphore, #tpu.memory_space<semaphore_mem>>)
      %scan3A_89 = arith.constant 0 : i32
      scf.yield %scan3A_89 : i32
    }
    %scan3A_36 = arith.constant 8 : i32
    %scan3A_37 = arith.constant 0 : i32
    %scan3A_38 = arith.constant 0 : i32
    %scan3A_39 = arith.constant 8 : i32
    %scan3A_40 = arith.addi %scan3A_38, %scan3A_39 : i32
    %scan3A_41 = arith.constant 1 : i32
    %scan3A_42 = scf.for %scan3A_80 = %scan3A_38 to %scan3A_40 step %scan3A_41 iter_args(%scan3A_81 = %scan3A_37) -> (i32)  : i32 {
      %dma_wait3A = arith.constant 0 : i32
      %dma_wait3A_82 = tpu.memref_slice %arg14[%dma_wait3A] : memref<983040xf32, #tpu.memory_space<vmem_shared>> -> memref<7680xf32, #tpu.memory_space<vmem_shared>>
      %dma_wait3A_83 = arith.constant 0 : i32
      %dma_wait3A_84 = tpu.memref_slice %arg14[%dma_wait3A_83] : memref<983040xf32, #tpu.memory_space<vmem_shared>> -> memref<7680xf32, #tpu.memory_space<vmem_shared>>
      tpu.wait_dma2 semaphore(%arg16 : memref<!tpu.dma_semaphore, #tpu.memory_space<semaphore_mem>>) src(%arg13 : memref<7680xf32, #tpu.memory_space<vmem>>) dst(%dma_wait3A_84 : memref<7680xf32, #tpu.memory_space<vmem_shared>>)
      %scan3A_85 = arith.constant 0 : i32
      scf.yield %scan3A_85 : i32
    }
    %scan3A_43 = arith.constant 8 : i32
    %barrier3A = arith.constant 0 : index
    tpu.barrier barrier_id(%barrier3A)
    %scan3A_44 = arith.constant 0 : i32
    %scan3A_45 = arith.constant 0 : i32
    %scan3A_46 = arith.constant 8 : i32
    %scan3A_47 = arith.addi %scan3A_45, %scan3A_46 : i32
    %scan3A_48 = arith.constant 1 : i32
    %scan3A_49 = scf.for %scan3A_80 = %scan3A_45 to %scan3A_47 step %scan3A_48 iter_args(%scan3A_81 = %scan3A_44) -> (i32)  : i32 {
      %mul3A_82 = arith.constant 2 : i32
      %mul3A_83 = arith.muli %mul3A_82, %scan3A_80 : i32
      %rem3A_84 = arith.constant 2 : i32
      %rem3A_85 = arith.remsi %mul3A_83, %rem3A_84 : i32
      %mul3A_86 = arith.constant 4096 : i32
      %mul3A_87 = arith.muli %rem3A_85, %mul3A_86 : i32
      %dma_wait3A = arith.constant 0 : i32
      %dma_wait3A_88 = tpu.memref_slice %arg6[%dma_wait3A] : memref<8192xi32, #tpu.memory_space<vmem>> -> memref<4096xi32, #tpu.memory_space<vmem>>
      %dma_wait3A_89 = arith.constant 0 : i32
      %dma_wait3A_90 = tpu.memref_slice %arg2[%dma_wait3A_89] : memref<2000000xi32, #tpu.memory_space<hbm>> -> memref<4096xi32, #tpu.memory_space<hbm>>
      %dma_wait3A_91 = arith.constant 0 : i32
      %dma_wait3A_92 = tpu.memref_slice %arg6[%dma_wait3A_91] : memref<8192xi32, #tpu.memory_space<vmem>> -> memref<4096xi32, #tpu.memory_space<vmem>>
      %dma_wait3A_93 = arith.constant 0 : i32
      %dma_wait3A_94 = tpu.memref_slice %arg2[%dma_wait3A_93] : memref<2000000xi32, #tpu.memory_space<hbm>> -> memref<4096xi32, #tpu.memory_space<hbm>>
      tpu.wait_dma2 semaphore(%arg15 : memref<!tpu.dma_semaphore, #tpu.memory_space<semaphore_mem>>) src(%dma_wait3A_94 : memref<4096xi32, #tpu.memory_space<hbm>>) dst(%dma_wait3A_92 : memref<4096xi32, #tpu.memory_space<vmem>>)
      %dma_wait3A_95 = arith.constant 0 : i32
      %dma_wait3A_96 = tpu.memref_slice %arg7[%dma_wait3A_95] : memref<8192xi32, #tpu.memory_space<vmem>> -> memref<4096xi32, #tpu.memory_space<vmem>>
      %dma_wait3A_97 = arith.constant 0 : i32
      %dma_wait3A_98 = tpu.memref_slice %arg3[%dma_wait3A_97] : memref<2000000xi32, #tpu.memory_space<hbm>> -> memref<4096xi32, #tpu.memory_space<hbm>>
      %dma_wait3A_99 = arith.constant 0 : i32
      %dma_wait3A_100 = tpu.memref_slice %arg7[%dma_wait3A_99] : memref<8192xi32, #tpu.memory_space<vmem>> -> memref<4096xi32, #tpu.memory_space<vmem>>
      %dma_wait3A_101 = arith.constant 0 : i32
      %dma_wait3A_102 = tpu.memref_slice %arg3[%dma_wait3A_101] : memref<2000000xi32, #tpu.memory_space<hbm>> -> memref<4096xi32, #tpu.memory_space<hbm>>
      tpu.wait_dma2 semaphore(%arg15 : memref<!tpu.dma_semaphore, #tpu.memory_space<semaphore_mem>>) src(%dma_wait3A_102 : memref<4096xi32, #tpu.memory_space<hbm>>) dst(%dma_wait3A_100 : memref<4096xi32, #tpu.memory_space<vmem>>)
      %dma_wait3A_103 = arith.constant 0 : i32
      %dma_wait3A_104 = tpu.memref_slice %arg8[%dma_wait3A_103] : memref<8192xi32, #tpu.memory_space<vmem>> -> memref<4096xi32, #tpu.memory_space<vmem>>
      %dma_wait3A_105 = arith.constant 0 : i32
      %dma_wait3A_106 = tpu.memref_slice %arg4[%dma_wait3A_105] : memref<2000000xi32, #tpu.memory_space<hbm>> -> memref<4096xi32, #tpu.memory_space<hbm>>
      %dma_wait3A_107 = arith.constant 0 : i32
      %dma_wait3A_108 = tpu.memref_slice %arg8[%dma_wait3A_107] : memref<8192xi32, #tpu.memory_space<vmem>> -> memref<4096xi32, #tpu.memory_space<vmem>>
      %dma_wait3A_109 = arith.constant 0 : i32
      %dma_wait3A_110 = tpu.memref_slice %arg4[%dma_wait3A_109] : memref<2000000xi32, #tpu.memory_space<hbm>> -> memref<4096xi32, #tpu.memory_space<hbm>>
      tpu.wait_dma2 semaphore(%arg15 : memref<!tpu.dma_semaphore, #tpu.memory_space<semaphore_mem>>) src(%dma_wait3A_110 : memref<4096xi32, #tpu.memory_space<hbm>>) dst(%dma_wait3A_108 : memref<4096xi32, #tpu.memory_space<vmem>>)
      %add3A_111 = arith.constant 1 : i32
      %add3A_112 = arith.addi %mul3A_83, %add3A_111 : i32
      %lt3A = arith.constant 16 : i32
      %lt3A_113 = arith.cmpi slt, %add3A_112, %lt3A : i32
      %convert_element_type3A = arith.extui %lt3A_113 : i1 to i32
      %cond3A = arith.constant 0 : i32
      %cond3A_114 = arith.cmpi ne, %convert_element_type3A, %cond3A : i32
      scf.if %cond3A_114 {
        %add3A_178 = arith.constant 1 : i32
        %add3A_179 = arith.addi %mul3A_83, %add3A_178 : i32
        %mul3A_180 = arith.constant 4096 : i32
        %mul3A_181 = arith.muli %add3A_179, %mul3A_180 : i32
        %min3A_182 = arith.constant 58404 : i32
        %min3A_183 = arith.minsi %mul3A_181, %min3A_182 : i32
        %add3A_184 = arith.addi %mul3A_2, %min3A_183 : i32
        %shift_right_arithmetic3A_185 = arith.constant 3 : i32
        %shift_right_arithmetic3A_186 = arith.shrsi %add3A_184, %shift_right_arithmetic3A_185 : i32
        %shift_left3A_187 = arith.constant 3 : i32
        %shift_left3A_188 = arith.shli %shift_right_arithmetic3A_186, %shift_left3A_187 : i32
        %multiple_of3A_189 = tpu.assume_multiple %shift_left3A_188, 8 : i32
        %rem3A_190 = arith.constant 2 : i32
        %rem3A_191 = arith.remsi %add3A_179, %rem3A_190 : i32
        %mul3A_192 = arith.constant 4096 : i32
        %mul3A_193 = arith.muli %rem3A_191, %mul3A_192 : i32
        %dma_start3A_194 = tpu.memref_slice %arg6[%mul3A_193] : memref<8192xi32, #tpu.memory_space<vmem>> -> memref<4096xi32, #tpu.memory_space<vmem>>
        %dma_start3A_195 = tpu.memref_slice %arg2[%multiple_of3A_189] : memref<2000000xi32, #tpu.memory_space<hbm>> -> memref<4096xi32, #tpu.memory_space<hbm>>
        %dma_start3A_196 = tpu.memref_slice %arg6[%mul3A_193] : memref<8192xi32, #tpu.memory_space<vmem>> -> memref<4096xi32, #tpu.memory_space<vmem>>
        %dma_start3A_197 = tpu.memref_slice %arg2[%multiple_of3A_189] : memref<2000000xi32, #tpu.memory_space<hbm>> -> memref<4096xi32, #tpu.memory_space<hbm>>
        tpu.enqueue_dma source(%dma_start3A_197 : memref<4096xi32, #tpu.memory_space<hbm>>) target(%dma_start3A_196 : memref<4096xi32, #tpu.memory_space<vmem>>) target_semaphore(%arg15 : memref<!tpu.dma_semaphore, #tpu.memory_space<semaphore_mem>>)
        %dma_start3A_198 = tpu.memref_slice %arg7[%mul3A_193] : memref<8192xi32, #tpu.memory_space<vmem>> -> memref<4096xi32, #tpu.memory_space<vmem>>
        %dma_start3A_199 = tpu.memref_slice %arg3[%multiple_of3A_189] : memref<2000000xi32, #tpu.memory_space<hbm>> -> memref<4096xi32, #tpu.memory_space<hbm>>
        %dma_start3A_200 = tpu.memref_slice %arg7[%mul3A_193] : memref<8192xi32, #tpu.memory_space<vmem>> -> memref<4096xi32, #tpu.memory_space<vmem>>
        %dma_start3A_201 = tpu.memref_slice %arg3[%multiple_of3A_189] : memref<2000000xi32, #tpu.memory_space<hbm>> -> memref<4096xi32, #tpu.memory_space<hbm>>
        tpu.enqueue_dma source(%dma_start3A_201 : memref<4096xi32, #tpu.memory_space<hbm>>) target(%dma_start3A_200 : memref<4096xi32, #tpu.memory_space<vmem>>) target_semaphore(%arg15 : memref<!tpu.dma_semaphore, #tpu.memory_space<semaphore_mem>>)
        %dma_start3A_202 = tpu.memref_slice %arg8[%mul3A_193] : memref<8192xi32, #tpu.memory_space<vmem>> -> memref<4096xi32, #tpu.memory_space<vmem>>
        %dma_start3A_203 = tpu.memref_slice %arg4[%multiple_of3A_189] : memref<2000000xi32, #tpu.memory_space<hbm>> -> memref<4096xi32, #tpu.memory_space<hbm>>
        %dma_start3A_204 = tpu.memref_slice %arg8[%mul3A_193] : memref<8192xi32, #tpu.memory_space<vmem>> -> memref<4096xi32, #tpu.memory_space<vmem>>
        %dma_start3A_205 = tpu.memref_slice %arg4[%multiple_of3A_189] : memref<2000000xi32, #tpu.memory_space<hbm>> -> memref<4096xi32, #tpu.memory_space<hbm>>
        tpu.enqueue_dma source(%dma_start3A_205 : memref<4096xi32, #tpu.memory_space<hbm>>) target(%dma_start3A_204 : memref<4096xi32, #tpu.memory_space<vmem>>) target_semaphore(%arg15 : memref<!tpu.dma_semaphore, #tpu.memory_space<semaphore_mem>>)
      } else {
      }
      %ge3A = arith.constant 2 : i32
      %ge3A_115 = arith.cmpi sge, %mul3A_83, %ge3A : i32
      %convert_element_type3A_116 = arith.extui %ge3A_115 : i1 to i32
      %cond3A_117 = arith.constant 0 : i32
      %cond3A_118 = arith.cmpi ne, %convert_element_type3A_116, %cond3A_117 : i32
      scf.if %cond3A_118 {
        %scan3A_178 = arith.constant 0 : i32
        %scan3A_179 = arith.constant 0 : i32
        %scan3A_180 = arith.constant 32 : i32
        %scan3A_181 = arith.addi %scan3A_179, %scan3A_180 : i32
        %scan3A_182 = arith.constant 1 : i32
        %scan3A_183 = scf.for %scan3A_185 = %scan3A_179 to %scan3A_181 step %scan3A_182 iter_args(%scan3A_186 = %scan3A_178) -> (i32)  : i32 {
          %dma_wait3A_187 = arith.constant 0 : i32
          %dma_wait3A_188 = arith.constant 0 : i32
          %dma_wait3A_189 = arith.constant 0 : i32
          %dma_wait3A_190 = tpu.memref_slice %arg10[%dma_wait3A_187, %dma_wait3A_189] : memref<32x128xf32, #tpu.memory_space<vmem>> -> memref<1x128xf32, #tpu.memory_space<vmem>>
          %dma_wait3A_191 = tpu.memref_squeeze %dma_wait3A_190 : memref<1x128xf32, #tpu.memory_space<vmem>> -> memref<128xf32, #tpu.memory_space<vmem>>
          %dma_wait3A_192 = arith.constant 0 : i32
          %dma_wait3A_193 = tpu.memref_slice %arg9[%dma_wait3A_188, %dma_wait3A_192] : memref<32x128xi32, #tpu.memory_space<vmem>> -> memref<1x128xi32, #tpu.memory_space<vmem>>
          %dma_wait3A_194 = tpu.memref_squeeze %dma_wait3A_193 : memref<1x128xi32, #tpu.memory_space<vmem>> -> memref<128xi32, #tpu.memory_space<vmem>>
          %dma_wait3A_195 = arith.constant 0 : i32
          %dma_wait3A_196 = tpu.memref_slice %arg14[%dma_wait3A_195] : memref<983040xf32, #tpu.memory_space<vmem_shared>> -> memref<983040xf32, #tpu.memory_space<vmem_shared>>
          tpu.wait_indirect_dma semaphore(%arg16 : memref<!tpu.dma_semaphore, #tpu.memory_space<semaphore_mem>>) src(%dma_wait3A_191 : memref<128xf32, #tpu.memory_space<vmem>>) dst(%dma_wait3A_196 : memref<983040xf32, #tpu.memory_space<vmem_shared>>)
          %scan3A_197 = arith.constant 0 : i32
          scf.yield %scan3A_197 : i32
        }
        %scan3A_184 = arith.constant 32 : i32
      } else {
      }
      %scan3A_119 = arith.constant 0 : i32
      %scan3A_120 = arith.constant 0 : i32
      %scan3A_121 = arith.constant 32 : i32
      %scan3A_122 = arith.addi %scan3A_120, %scan3A_121 : i32
      %scan3A_123 = arith.constant 1 : i32
      %scan3A_124 = scf.for %scan3A_178 = %scan3A_120 to %scan3A_122 step %scan3A_123 iter_args(%scan3A_179 = %scan3A_119) -> (i32)  : i32 {
        %mul3A_180 = arith.constant 128 : i32
        %mul3A_181 = arith.muli %scan3A_178, %mul3A_180 : i32
        %add3A_182 = arith.addi %mul3A_87, %mul3A_181 : i32
        %add3A_183 = arith.constant 0 : i32
        %add3A_184 = arith.addi %add3A_182, %add3A_183 : i32
        %get3A = arith.index_cast %add3A_184 : i32 to index
        %get3A_185 = tpu.vector_load %arg6[%get3A] {strides = array<i32>} : memref<8192xi32, #tpu.memory_space<vmem>>, vector<16xi32>,
        %get3A_186 = vector.shape_cast %get3A_185 : vector<16xi32> to vector<16xi32>
        %get3A_187 = arith.index_cast %add3A_184 : i32 to index
        %get3A_188 = tpu.vector_load %arg7[%get3A_187] {strides = array<i32>} : memref<8192xi32, #tpu.memory_space<vmem>>, vector<16xi32>,
        %get3A_189 = vector.shape_cast %get3A_188 : vector<16xi32> to vector<16xi32>
        %get3A_190 = arith.index_cast %add3A_184 : i32 to index
        %get3A_191 = tpu.vector_load %arg8[%get3A_190] {strides = array<i32>} : memref<8192xi32, #tpu.memory_space<vmem>>, vector<16xi32>,
        %get3A_192 = vector.shape_cast %get3A_191 : vector<16xi32> to vector<16xi32>
        %mul3A_193 = arith.constant 768 : i32
        %mul3A_194 = vector.broadcast %mul3A_193 : i32 to vector<16xi32>
        %mul3A_195 = arith.muli %get3A_186, %mul3A_194 : vector<16xi32>
        %add3A_196 = arith.addi %mul3A_195, %get3A_189 : vector<16xi32>
        %eq3A = arith.constant 0 : i32
        %eq3A_197 = vector.broadcast %eq3A : i32 to vector<16xi32>
        %eq3A_198 = arith.cmpi eq, %get3A_192, %eq3A_197 : vector<16xi32>
        %jit3A = arith.constant 1.000000e+00 : f32
        %jit3A_199 = arith.constant 0x4A800000 : f32
        %broadcast_in_dim3A_200 = vector.broadcast %jit3A : f32 to vector<16xf32>
        %broadcast_in_dim3A_201 = vector.broadcast %jit3A_199 : f32 to vector<16xf32>
        %select_n3A = arith.select %eq3A_198, %broadcast_in_dim3A_200, %broadcast_in_dim3A_201 : vector<16xi1>, vector<16xf32>
        %swap3A = arith.index_cast %scan3A_178 : i32 to index
        %swap3A_202 = arith.constant 0 : index
        %swap3A_203 = tpu.vector_load %arg9[%swap3A, %swap3A_202] {strides = array<i32>} : memref<32x128xi32, #tpu.memory_space<vmem>>, vector<1x16xi32>,
        %swap3A_204 = vector.shape_cast %swap3A_203 : vector<1x16xi32> to vector<16xi32>
        %swap3A_205 = vector.shape_cast %add3A_196 : vector<16xi32> to vector<1x16xi32>
        tpu.vector_store %arg9[%swap3A, %swap3A_202], %swap3A_205 {strides = array<i32>} : memref<32x128xi32, #tpu.memory_space<vmem>>, vector<1x16xi32>,
        %swap3A_206 = arith.index_cast %scan3A_178 : i32 to index
        %swap3A_207 = arith.constant 0 : index
        %swap3A_208 = tpu.vector_load %arg10[%swap3A_206, %swap3A_207] {strides = array<i32>} : memref<32x128xf32, #tpu.memory_space<vmem>>, vector<1x16xf32>,
        %swap3A_209 = vector.shape_cast %swap3A_208 : vector<1x16xf32> to vector<16xf32>
        %swap3A_210 = vector.shape_cast %select_n3A : vector<16xf32> to vector<1x16xf32>
        tpu.vector_store %arg10[%swap3A_206, %swap3A_207], %swap3A_210 {strides = array<i32>} : memref<32x128xf32, #tpu.memory_space<vmem>>, vector<1x16xf32>,
        %mul3A_211 = arith.constant 128 : i32
        %mul3A_212 = arith.muli %scan3A_178, %mul3A_211 : i32
        %add3A_213 = arith.addi %mul3A_87, %mul3A_212 : i32
        %add3A_214 = arith.constant 16 : i32
        %add3A_215 = arith.addi %add3A_213, %add3A_214 : i32
        %get3A_216 = arith.index_cast %add3A_215 : i32 to index
        %get3A_217 = tpu.vector_load %arg6[%get3A_216] {strides = array<i32>} : memref<8192xi32, #tpu.memory_space<vmem>>, vector<16xi32>,
        %get3A_218 = vector.shape_cast %get3A_217 : vector<16xi32> to vector<16xi32>
        %get3A_219 = arith.index_cast %add3A_215 : i32 to index
        %get3A_220 = tpu.vector_load %arg7[%get3A_219] {strides = array<i32>} : memref<8192xi32, #tpu.memory_space<vmem>>, vector<16xi32>,
        %get3A_221 = vector.shape_cast %get3A_220 : vector<16xi32> to vector<16xi32>
        %get3A_222 = arith.index_cast %add3A_215 : i32 to index
        %get3A_223 = tpu.vector_load %arg8[%get3A_222] {strides = array<i32>} : memref<8192xi32, #tpu.memory_space<vmem>>, vector<16xi32>,
        %get3A_224 = vector.shape_cast %get3A_223 : vector<16xi32> to vector<16xi32>
        %mul3A_225 = arith.constant 768 : i32
        %mul3A_226 = vector.broadcast %mul3A_225 : i32 to vector<16xi32>
        %mul3A_227 = arith.muli %get3A_218, %mul3A_226 : vector<16xi32>
        %add3A_228 = arith.addi %mul3A_227, %get3A_221 : vector<16xi32>
        %eq3A_229 = arith.constant 0 : i32
        %eq3A_230 = vector.broadcast %eq3A_229 : i32 to vector<16xi32>
        %eq3A_231 = arith.cmpi eq, %get3A_224, %eq3A_230 : vector<16xi32>
        %jit3A_232 = arith.constant 1.000000e+00 : f32
        %jit3A_233 = arith.constant 0x4A800000 : f32
        %broadcast_in_dim3A_234 = vector.broadcast %jit3A_232 : f32 to vector<16xf32>
        %broadcast_in_dim3A_235 = vector.broadcast %jit3A_233 : f32 to vector<16xf32>
        %select_n3A_236 = arith.select %eq3A_231, %broadcast_in_dim3A_234, %broadcast_in_dim3A_235 : vector<16xi1>, vector<16xf32>
        %swap3A_237 = arith.index_cast %scan3A_178 : i32 to index
        %swap3A_238 = arith.constant 16 : index
        %swap3A_239 = tpu.vector_load %arg9[%swap3A_237, %swap3A_238] {strides = array<i32>} : memref<32x128xi32, #tpu.memory_space<vmem>>, vector<1x16xi32>,
        %swap3A_240 = vector.shape_cast %swap3A_239 : vector<1x16xi32> to vector<16xi32>
        %swap3A_241 = vector.shape_cast %add3A_228 : vector<16xi32> to vector<1x16xi32>
        tpu.vector_store %arg9[%swap3A_237, %swap3A_238], %swap3A_241 {strides = array<i32>} : memref<32x128xi32, #tpu.memory_space<vmem>>, vector<1x16xi32>,
        %swap3A_242 = arith.index_cast %scan3A_178 : i32 to index
        %swap3A_243 = arith.constant 16 : index
        %swap3A_244 = tpu.vector_load %arg10[%swap3A_242, %swap3A_243] {strides = array<i32>} : memref<32x128xf32, #tpu.memory_space<vmem>>, vector<1x16xf32>,
        %swap3A_245 = vector.shape_cast %swap3A_244 : vector<1x16xf32> to vector<16xf32>
        %swap3A_246 = vector.shape_cast %select_n3A_236 : vector<16xf32> to vector<1x16xf32>
        tpu.vector_store %arg10[%swap3A_242, %swap3A_243], %swap3A_246 {strides = array<i32>} : memref<32x128xf32, #tpu.memory_space<vmem>>, vector<1x16xf32>,
        %mul3A_247 = arith.constant 128 : i32
        %mul3A_248 = arith.muli %scan3A_178, %mul3A_247 : i32
        %add3A_249 = arith.addi %mul3A_87, %mul3A_248 : i32
        %add3A_250 = arith.constant 32 : i32
        %add3A_251 = arith.addi %add3A_249, %add3A_250 : i32
        %get3A_252 = arith.index_cast %add3A_251 : i32 to index
        %get3A_253 = tpu.vector_load %arg6[%get3A_252] {strides = array<i32>} : memref<8192xi32, #tpu.memory_space<vmem>>, vector<16xi32>,
        %get3A_254 = vector.shape_cast %get3A_253 : vector<16xi32> to vector<16xi32>
        %get3A_255 = arith.index_cast %add3A_251 : i32 to index
        %get3A_256 = tpu.vector_load %arg7[%get3A_255] {strides = array<i32>} : memref<8192xi32, #tpu.memory_space<vmem>>, vector<16xi32>,
        %get3A_257 = vector.shape_cast %get3A_256 : vector<16xi32> to vector<16xi32>
        %get3A_258 = arith.index_cast %add3A_251 : i32 to index
        %get3A_259 = tpu.vector_load %arg8[%get3A_258] {strides = array<i32>} : memref<8192xi32, #tpu.memory_space<vmem>>, vector<16xi32>,
        %get3A_260 = vector.shape_cast %get3A_259 : vector<16xi32> to vector<16xi32>
        %mul3A_261 = arith.constant 768 : i32
        %mul3A_262 = vector.broadcast %mul3A_261 : i32 to vector<16xi32>
        %mul3A_263 = arith.muli %get3A_254, %mul3A_262 : vector<16xi32>
        %add3A_264 = arith.addi %mul3A_263, %get3A_257 : vector<16xi32>
        %eq3A_265 = arith.constant 0 : i32
        %eq3A_266 = vector.broadcast %eq3A_265 : i32 to vector<16xi32>
        %eq3A_267 = arith.cmpi eq, %get3A_260, %eq3A_266 : vector<16xi32>
        %jit3A_268 = arith.constant 1.000000e+00 : f32
        %jit3A_269 = arith.constant 0x4A800000 : f32
        %broadcast_in_dim3A_270 = vector.broadcast %jit3A_268 : f32 to vector<16xf32>
        %broadcast_in_dim3A_271 = vector.broadcast %jit3A_269 : f32 to vector<16xf32>
        %select_n3A_272 = arith.select %eq3A_267, %broadcast_in_dim3A_270, %broadcast_in_dim3A_271 : vector<16xi1>, vector<16xf32>
        %swap3A_273 = arith.index_cast %scan3A_178 : i32 to index
        %swap3A_274 = arith.constant 32 : index
        %swap3A_275 = tpu.vector_load %arg9[%swap3A_273, %swap3A_274] {strides = array<i32>} : memref<32x128xi32, #tpu.memory_space<vmem>>, vector<1x16xi32>,
        %swap3A_276 = vector.shape_cast %swap3A_275 : vector<1x16xi32> to vector<16xi32>
        %swap3A_277 = vector.shape_cast %add3A_264 : vector<16xi32> to vector<1x16xi32>
        tpu.vector_store %arg9[%swap3A_273, %swap3A_274], %swap3A_277 {strides = array<i32>} : memref<32x128xi32, #tpu.memory_space<vmem>>, vector<1x16xi32>,
        %swap3A_278 = arith.index_cast %scan3A_178 : i32 to index
        %swap3A_279 = arith.constant 32 : index
        %swap3A_280 = tpu.vector_load %arg10[%swap3A_278, %swap3A_279] {strides = array<i32>} : memref<32x128xf32, #tpu.memory_space<vmem>>, vector<1x16xf32>,
        %swap3A_281 = vector.shape_cast %swap3A_280 : vector<1x16xf32> to vector<16xf32>
        %swap3A_282 = vector.shape_cast %select_n3A_272 : vector<16xf32> to vector<1x16xf32>
        tpu.vector_store %arg10[%swap3A_278, %swap3A_279], %swap3A_282 {strides = array<i32>} : memref<32x128xf32, #tpu.memory_space<vmem>>, vector<1x16xf32>,
        %mul3A_283 = arith.constant 128 : i32
        %mul3A_284 = arith.muli %scan3A_178, %mul3A_283 : i32
        %add3A_285 = arith.addi %mul3A_87, %mul3A_284 : i32
        %add3A_286 = arith.constant 48 : i32
        %add3A_287 = arith.addi %add3A_285, %add3A_286 : i32
        %get3A_288 = arith.index_cast %add3A_287 : i32 to index
        %get3A_289 = tpu.vector_load %arg6[%get3A_288] {strides = array<i32>} : memref<8192xi32, #tpu.memory_space<vmem>>, vector<16xi32>,
        %get3A_290 = vector.shape_cast %get3A_289 : vector<16xi32> to vector<16xi32>
        %get3A_291 = arith.index_cast %add3A_287 : i32 to index
        %get3A_292 = tpu.vector_load %arg7[%get3A_291] {strides = array<i32>} : memref<8192xi32, #tpu.memory_space<vmem>>, vector<16xi32>,
        %get3A_293 = vector.shape_cast %get3A_292 : vector<16xi32> to vector<16xi32>
        %get3A_294 = arith.index_cast %add3A_287 : i32 to index
        %get3A_295 = tpu.vector_load %arg8[%get3A_294] {strides = array<i32>} : memref<8192xi32, #tpu.memory_space<vmem>>, vector<16xi32>,
        %get3A_296 = vector.shape_cast %get3A_295 : vector<16xi32> to vector<16xi32>
        %mul3A_297 = arith.constant 768 : i32
        %mul3A_298 = vector.broadcast %mul3A_297 : i32 to vector<16xi32>
        %mul3A_299 = arith.muli %get3A_290, %mul3A_298 : vector<16xi32>
        %add3A_300 = arith.addi %mul3A_299, %get3A_293 : vector<16xi32>
        %eq3A_301 = arith.constant 0 : i32
        %eq3A_302 = vector.broadcast %eq3A_301 : i32 to vector<16xi32>
        %eq3A_303 = arith.cmpi eq, %get3A_296, %eq3A_302 : vector<16xi32>
        %jit3A_304 = arith.constant 1.000000e+00 : f32
        %jit3A_305 = arith.constant 0x4A800000 : f32
        %broadcast_in_dim3A_306 = vector.broadcast %jit3A_304 : f32 to vector<16xf32>
        %broadcast_in_dim3A_307 = vector.broadcast %jit3A_305 : f32 to vector<16xf32>
        %select_n3A_308 = arith.select %eq3A_303, %broadcast_in_dim3A_306, %broadcast_in_dim3A_307 : vector<16xi1>, vector<16xf32>
        %swap3A_309 = arith.index_cast %scan3A_178 : i32 to index
        %swap3A_310 = arith.constant 48 : index
        %swap3A_311 = tpu.vector_load %arg9[%swap3A_309, %swap3A_310] {strides = array<i32>} : memref<32x128xi32, #tpu.memory_space<vmem>>, vector<1x16xi32>,
        %swap3A_312 = vector.shape_cast %swap3A_311 : vector<1x16xi32> to vector<16xi32>
        %swap3A_313 = vector.shape_cast %add3A_300 : vector<16xi32> to vector<1x16xi32>
        tpu.vector_store %arg9[%swap3A_309, %swap3A_310], %swap3A_313 {strides = array<i32>} : memref<32x128xi32, #tpu.memory_space<vmem>>, vector<1x16xi32>,
        %swap3A_314 = arith.index_cast %scan3A_178 : i32 to index
        %swap3A_315 = arith.constant 48 : index
        %swap3A_316 = tpu.vector_load %arg10[%swap3A_314, %swap3A_315] {strides = array<i32>} : memref<32x128xf32, #tpu.memory_space<vmem>>, vector<1x16xf32>,
        %swap3A_317 = vector.shape_cast %swap3A_316 : vector<1x16xf32> to vector<16xf32>
        %swap3A_318 = vector.shape_cast %select_n3A_308 : vector<16xf32> to vector<1x16xf32>
        tpu.vector_store %arg10[%swap3A_314, %swap3A_315], %swap3A_318 {strides = array<i32>} : memref<32x128xf32, #tpu.memory_space<vmem>>, vector<1x16xf32>,
        %mul3A_319 = arith.constant 128 : i32
        %mul3A_320 = arith.muli %scan3A_178, %mul3A_319 : i32
        %add3A_321 = arith.addi %mul3A_87, %mul3A_320 : i32
        %add3A_322 = arith.constant 64 : i32
        %add3A_323 = arith.addi %add3A_321, %add3A_322 : i32
        %get3A_324 = arith.index_cast %add3A_323 : i32 to index
        %get3A_325 = tpu.vector_load %arg6[%get3A_324] {strides = array<i32>} : memref<8192xi32, #tpu.memory_space<vmem>>, vector<16xi32>,
        %get3A_326 = vector.shape_cast %get3A_325 : vector<16xi32> to vector<16xi32>
        %get3A_327 = arith.index_cast %add3A_323 : i32 to index
        %get3A_328 = tpu.vector_load %arg7[%get3A_327] {strides = array<i32>} : memref<8192xi32, #tpu.memory_space<vmem>>, vector<16xi32>,
        %get3A_329 = vector.shape_cast %get3A_328 : vector<16xi32> to vector<16xi32>
        %get3A_330 = arith.index_cast %add3A_323 : i32 to index
        %get3A_331 = tpu.vector_load %arg8[%get3A_330] {strides = array<i32>} : memref<8192xi32, #tpu.memory_space<vmem>>, vector<16xi32>,
        %get3A_332 = vector.shape_cast %get3A_331 : vector<16xi32> to vector<16xi32>
        %mul3A_333 = arith.constant 768 : i32
        %mul3A_334 = vector.broadcast %mul3A_333 : i32 to vector<16xi32>
        %mul3A_335 = arith.muli %get3A_326, %mul3A_334 : vector<16xi32>
        %add3A_336 = arith.addi %mul3A_335, %get3A_329 : vector<16xi32>
        %eq3A_337 = arith.constant 0 : i32
        %eq3A_338 = vector.broadcast %eq3A_337 : i32 to vector<16xi32>
        %eq3A_339 = arith.cmpi eq, %get3A_332, %eq3A_338 : vector<16xi32>
        %jit3A_340 = arith.constant 1.000000e+00 : f32
        %jit3A_341 = arith.constant 0x4A800000 : f32
        %broadcast_in_dim3A_342 = vector.broadcast %jit3A_340 : f32 to vector<16xf32>
        %broadcast_in_dim3A_343 = vector.broadcast %jit3A_341 : f32 to vector<16xf32>
        %select_n3A_344 = arith.select %eq3A_339, %broadcast_in_dim3A_342, %broadcast_in_dim3A_343 : vector<16xi1>, vector<16xf32>
        %swap3A_345 = arith.index_cast %scan3A_178 : i32 to index
        %swap3A_346 = arith.constant 64 : index
        %swap3A_347 = tpu.vector_load %arg9[%swap3A_345, %swap3A_346] {strides = array<i32>} : memref<32x128xi32, #tpu.memory_space<vmem>>, vector<1x16xi32>,
        %swap3A_348 = vector.shape_cast %swap3A_347 : vector<1x16xi32> to vector<16xi32>
        %swap3A_349 = vector.shape_cast %add3A_336 : vector<16xi32> to vector<1x16xi32>
        tpu.vector_store %arg9[%swap3A_345, %swap3A_346], %swap3A_349 {strides = array<i32>} : memref<32x128xi32, #tpu.memory_space<vmem>>, vector<1x16xi32>,
        %swap3A_350 = arith.index_cast %scan3A_178 : i32 to index
        %swap3A_351 = arith.constant 64 : index
        %swap3A_352 = tpu.vector_load %arg10[%swap3A_350, %swap3A_351] {strides = array<i32>} : memref<32x128xf32, #tpu.memory_space<vmem>>, vector<1x16xf32>,
        %swap3A_353 = vector.shape_cast %swap3A_352 : vector<1x16xf32> to vector<16xf32>
        %swap3A_354 = vector.shape_cast %select_n3A_344 : vector<16xf32> to vector<1x16xf32>
        tpu.vector_store %arg10[%swap3A_350, %swap3A_351], %swap3A_354 {strides = array<i32>} : memref<32x128xf32, #tpu.memory_space<vmem>>, vector<1x16xf32>,
        %mul3A_355 = arith.constant 128 : i32
        %mul3A_356 = arith.muli %scan3A_178, %mul3A_355 : i32
        %add3A_357 = arith.addi %mul3A_87, %mul3A_356 : i32
        %add3A_358 = arith.constant 80 : i32
        %add3A_359 = arith.addi %add3A_357, %add3A_358 : i32
        %get3A_360 = arith.index_cast %add3A_359 : i32 to index
        %get3A_361 = tpu.vector_load %arg6[%get3A_360] {strides = array<i32>} : memref<8192xi32, #tpu.memory_space<vmem>>, vector<16xi32>,
        %get3A_362 = vector.shape_cast %get3A_361 : vector<16xi32> to vector<16xi32>
        %get3A_363 = arith.index_cast %add3A_359 : i32 to index
        %get3A_364 = tpu.vector_load %arg7[%get3A_363] {strides = array<i32>} : memref<8192xi32, #tpu.memory_space<vmem>>, vector<16xi32>,
        %get3A_365 = vector.shape_cast %get3A_364 : vector<16xi32> to vector<16xi32>
        %get3A_366 = arith.index_cast %add3A_359 : i32 to index
        %get3A_367 = tpu.vector_load %arg8[%get3A_366] {strides = array<i32>} : memref<8192xi32, #tpu.memory_space<vmem>>, vector<16xi32>,
        %get3A_368 = vector.shape_cast %get3A_367 : vector<16xi32> to vector<16xi32>
        %mul3A_369 = arith.constant 768 : i32
        %mul3A_370 = vector.broadcast %mul3A_369 : i32 to vector<16xi32>
        %mul3A_371 = arith.muli %get3A_362, %mul3A_370 : vector<16xi32>
        %add3A_372 = arith.addi %mul3A_371, %get3A_365 : vector<16xi32>
        %eq3A_373 = arith.constant 0 : i32
        %eq3A_374 = vector.broadcast %eq3A_373 : i32 to vector<16xi32>
        %eq3A_375 = arith.cmpi eq, %get3A_368, %eq3A_374 : vector<16xi32>
        %jit3A_376 = arith.constant 1.000000e+00 : f32
        %jit3A_377 = arith.constant 0x4A800000 : f32
        %broadcast_in_dim3A_378 = vector.broadcast %jit3A_376 : f32 to vector<16xf32>
        %broadcast_in_dim3A_379 = vector.broadcast %jit3A_377 : f32 to vector<16xf32>
        %select_n3A_380 = arith.select %eq3A_375, %broadcast_in_dim3A_378, %broadcast_in_dim3A_379 : vector<16xi1>, vector<16xf32>
        %swap3A_381 = arith.index_cast %scan3A_178 : i32 to index
        %swap3A_382 = arith.constant 80 : index
        %swap3A_383 = tpu.vector_load %arg9[%swap3A_381, %swap3A_382] {strides = array<i32>} : memref<32x128xi32, #tpu.memory_space<vmem>>, vector<1x16xi32>,
        %swap3A_384 = vector.shape_cast %swap3A_383 : vector<1x16xi32> to vector<16xi32>
        %swap3A_385 = vector.shape_cast %add3A_372 : vector<16xi32> to vector<1x16xi32>
        tpu.vector_store %arg9[%swap3A_381, %swap3A_382], %swap3A_385 {strides = array<i32>} : memref<32x128xi32, #tpu.memory_space<vmem>>, vector<1x16xi32>,
        %swap3A_386 = arith.index_cast %scan3A_178 : i32 to index
        %swap3A_387 = arith.constant 80 : index
        %swap3A_388 = tpu.vector_load %arg10[%swap3A_386, %swap3A_387] {strides = array<i32>} : memref<32x128xf32, #tpu.memory_space<vmem>>, vector<1x16xf32>,
        %swap3A_389 = vector.shape_cast %swap3A_388 : vector<1x16xf32> to vector<16xf32>
        %swap3A_390 = vector.shape_cast %select_n3A_380 : vector<16xf32> to vector<1x16xf32>
        tpu.vector_store %arg10[%swap3A_386, %swap3A_387], %swap3A_390 {strides = array<i32>} : memref<32x128xf32, #tpu.memory_space<vmem>>, vector<1x16xf32>,
        %mul3A_391 = arith.constant 128 : i32
        %mul3A_392 = arith.muli %scan3A_178, %mul3A_391 : i32
        %add3A_393 = arith.addi %mul3A_87, %mul3A_392 : i32
        %add3A_394 = arith.constant 96 : i32
        %add3A_395 = arith.addi %add3A_393, %add3A_394 : i32
        %get3A_396 = arith.index_cast %add3A_395 : i32 to index
        %get3A_397 = tpu.vector_load %arg6[%get3A_396] {strides = array<i32>} : memref<8192xi32, #tpu.memory_space<vmem>>, vector<16xi32>,
        %get3A_398 = vector.shape_cast %get3A_397 : vector<16xi32> to vector<16xi32>
        %get3A_399 = arith.index_cast %add3A_395 : i32 to index
        %get3A_400 = tpu.vector_load %arg7[%get3A_399] {strides = array<i32>} : memref<8192xi32, #tpu.memory_space<vmem>>, vector<16xi32>,
        %get3A_401 = vector.shape_cast %get3A_400 : vector<16xi32> to vector<16xi32>
        %get3A_402 = arith.index_cast %add3A_395 : i32 to index
        %get3A_403 = tpu.vector_load %arg8[%get3A_402] {strides = array<i32>} : memref<8192xi32, #tpu.memory_space<vmem>>, vector<16xi32>,
        %get3A_404 = vector.shape_cast %get3A_403 : vector<16xi32> to vector<16xi32>
        %mul3A_405 = arith.constant 768 : i32
        %mul3A_406 = vector.broadcast %mul3A_405 : i32 to vector<16xi32>
        %mul3A_407 = arith.muli %get3A_398, %mul3A_406 : vector<16xi32>
        %add3A_408 = arith.addi %mul3A_407, %get3A_401 : vector<16xi32>
        %eq3A_409 = arith.constant 0 : i32
        %eq3A_410 = vector.broadcast %eq3A_409 : i32 to vector<16xi32>
        %eq3A_411 = arith.cmpi eq, %get3A_404, %eq3A_410 : vector<16xi32>
        %jit3A_412 = arith.constant 1.000000e+00 : f32
        %jit3A_413 = arith.constant 0x4A800000 : f32
        %broadcast_in_dim3A_414 = vector.broadcast %jit3A_412 : f32 to vector<16xf32>
        %broadcast_in_dim3A_415 = vector.broadcast %jit3A_413 : f32 to vector<16xf32>
        %select_n3A_416 = arith.select %eq3A_411, %broadcast_in_dim3A_414, %broadcast_in_dim3A_415 : vector<16xi1>, vector<16xf32>
        %swap3A_417 = arith.index_cast %scan3A_178 : i32 to index
        %swap3A_418 = arith.constant 96 : index
        %swap3A_419 = tpu.vector_load %arg9[%swap3A_417, %swap3A_418] {strides = array<i32>} : memref<32x128xi32, #tpu.memory_space<vmem>>, vector<1x16xi32>,
        %swap3A_420 = vector.shape_cast %swap3A_419 : vector<1x16xi32> to vector<16xi32>
        %swap3A_421 = vector.shape_cast %add3A_408 : vector<16xi32> to vector<1x16xi32>
        tpu.vector_store %arg9[%swap3A_417, %swap3A_418], %swap3A_421 {strides = array<i32>} : memref<32x128xi32, #tpu.memory_space<vmem>>, vector<1x16xi32>,
        %swap3A_422 = arith.index_cast %scan3A_178 : i32 to index
        %swap3A_423 = arith.constant 96 : index
        %swap3A_424 = tpu.vector_load %arg10[%swap3A_422, %swap3A_423] {strides = array<i32>} : memref<32x128xf32, #tpu.memory_space<vmem>>, vector<1x16xf32>,
        %swap3A_425 = vector.shape_cast %swap3A_424 : vector<1x16xf32> to vector<16xf32>
        %swap3A_426 = vector.shape_cast %select_n3A_416 : vector<16xf32> to vector<1x16xf32>
        tpu.vector_store %arg10[%swap3A_422, %swap3A_423], %swap3A_426 {strides = array<i32>} : memref<32x128xf32, #tpu.memory_space<vmem>>, vector<1x16xf32>,
        %mul3A_427 = arith.constant 128 : i32
        %mul3A_428 = arith.muli %scan3A_178, %mul3A_427 : i32
        %add3A_429 = arith.addi %mul3A_87, %mul3A_428 : i32
        %add3A_430 = arith.constant 112 : i32
        %add3A_431 = arith.addi %add3A_429, %add3A_430 : i32
        %get3A_432 = arith.index_cast %add3A_431 : i32 to index
        %get3A_433 = tpu.vector_load %arg6[%get3A_432] {strides = array<i32>} : memref<8192xi32, #tpu.memory_space<vmem>>, vector<16xi32>,
        %get3A_434 = vector.shape_cast %get3A_433 : vector<16xi32> to vector<16xi32>
        %get3A_435 = arith.index_cast %add3A_431 : i32 to index
        %get3A_436 = tpu.vector_load %arg7[%get3A_435] {strides = array<i32>} : memref<8192xi32, #tpu.memory_space<vmem>>, vector<16xi32>,
        %get3A_437 = vector.shape_cast %get3A_436 : vector<16xi32> to vector<16xi32>
        %get3A_438 = arith.index_cast %add3A_431 : i32 to index
        %get3A_439 = tpu.vector_load %arg8[%get3A_438] {strides = array<i32>} : memref<8192xi32, #tpu.memory_space<vmem>>, vector<16xi32>,
        %get3A_440 = vector.shape_cast %get3A_439 : vector<16xi32> to vector<16xi32>
        %mul3A_441 = arith.constant 768 : i32
        %mul3A_442 = vector.broadcast %mul3A_441 : i32 to vector<16xi32>
        %mul3A_443 = arith.muli %get3A_434, %mul3A_442 : vector<16xi32>
        %add3A_444 = arith.addi %mul3A_443, %get3A_437 : vector<16xi32>
        %eq3A_445 = arith.constant 0 : i32
        %eq3A_446 = vector.broadcast %eq3A_445 : i32 to vector<16xi32>
        %eq3A_447 = arith.cmpi eq, %get3A_440, %eq3A_446 : vector<16xi32>
        %jit3A_448 = arith.constant 1.000000e+00 : f32
        %jit3A_449 = arith.constant 0x4A800000 : f32
        %broadcast_in_dim3A_450 = vector.broadcast %jit3A_448 : f32 to vector<16xf32>
        %broadcast_in_dim3A_451 = vector.broadcast %jit3A_449 : f32 to vector<16xf32>
        %select_n3A_452 = arith.select %eq3A_447, %broadcast_in_dim3A_450, %broadcast_in_dim3A_451 : vector<16xi1>, vector<16xf32>
        %swap3A_453 = arith.index_cast %scan3A_178 : i32 to index
        %swap3A_454 = arith.constant 112 : index
        %swap3A_455 = tpu.vector_load %arg9[%swap3A_453, %swap3A_454] {strides = array<i32>} : memref<32x128xi32, #tpu.memory_space<vmem>>, vector<1x16xi32>,
        %swap3A_456 = vector.shape_cast %swap3A_455 : vector<1x16xi32> to vector<16xi32>
        %swap3A_457 = vector.shape_cast %add3A_444 : vector<16xi32> to vector<1x16xi32>
        tpu.vector_store %arg9[%swap3A_453, %swap3A_454], %swap3A_457 {strides = array<i32>} : memref<32x128xi32, #tpu.memory_space<vmem>>, vector<1x16xi32>,
        %swap3A_458 = arith.index_cast %scan3A_178 : i32 to index
        %swap3A_459 = arith.constant 112 : index
        %swap3A_460 = tpu.vector_load %arg10[%swap3A_458, %swap3A_459] {strides = array<i32>} : memref<32x128xf32, #tpu.memory_space<vmem>>, vector<1x16xf32>,
        %swap3A_461 = vector.shape_cast %swap3A_460 : vector<1x16xf32> to vector<16xf32>
        %swap3A_462 = vector.shape_cast %select_n3A_452 : vector<16xf32> to vector<1x16xf32>
        tpu.vector_store %arg10[%swap3A_458, %swap3A_459], %swap3A_462 {strides = array<i32>} : memref<32x128xf32, #tpu.memory_space<vmem>>, vector<1x16xf32>,
        %dma_start3A_463 = arith.constant 0 : i32
        %dma_start3A_464 = tpu.memref_slice %arg10[%scan3A_178, %dma_start3A_463] : memref<32x128xf32, #tpu.memory_space<vmem>> -> memref<1x128xf32, #tpu.memory_space<vmem>>
        %dma_start3A_465 = tpu.memref_squeeze %dma_start3A_464 : memref<1x128xf32, #tpu.memory_space<vmem>> -> memref<128xf32, #tpu.memory_space<vmem>>
        %dma_start3A_466 = arith.constant 0 : i32
        %dma_start3A_467 = tpu.memref_slice %arg9[%scan3A_178, %dma_start3A_466] : memref<32x128xi32, #tpu.memory_space<vmem>> -> memref<1x128xi32, #tpu.memory_space<vmem>>
        %dma_start3A_468 = tpu.memref_squeeze %dma_start3A_467 : memref<1x128xi32, #tpu.memory_space<vmem>> -> memref<128xi32, #tpu.memory_space<vmem>>
        %dma_start3A_469 = arith.constant 0 : i32
        %dma_start3A_470 = tpu.memref_slice %arg14[%dma_start3A_469] : memref<983040xf32, #tpu.memory_space<vmem_shared>> -> memref<983040xf32, #tpu.memory_space<vmem_shared>>
        tpu.enqueue_indirect_dma source(%dma_start3A_465 : memref<128xf32, #tpu.memory_space<vmem>>) target(%dma_start3A_470 : memref<983040xf32, #tpu.memory_space<vmem_shared>>) offsets(%dma_start3A_468 : memref<128xi32, #tpu.memory_space<vmem>>) semaphore(%arg16 : memref<!tpu.dma_semaphore, #tpu.memory_space<semaphore_mem>>) {add = true}
        %scan3A_471 = arith.constant 0 : i32
        scf.yield %scan3A_471 : i32
      }
      %scan3A_125 = arith.constant 32 : i32
      %mul3A_126 = arith.constant 2 : i32
      %mul3A_127 = arith.muli %mul3A_126, %scan3A_80 : i32
      %add3A_128 = arith.constant 1 : i32
      %add3A_129 = arith.addi %mul3A_127, %add3A_128 : i32
      %rem3A_130 = arith.constant 2 : i32
      %rem3A_131 = arith.remsi %add3A_129, %rem3A_130 : i32
      %mul3A_132 = arith.constant 4096 : i32
      %mul3A_133 = arith.muli %rem3A_131, %mul3A_132 : i32
      %dma_wait3A_134 = arith.constant 0 : i32
      %dma_wait3A_135 = tpu.memref_slice %arg6[%dma_wait3A_134] : memref<8192xi32, #tpu.memory_space<vmem>> -> memref<4096xi32, #tpu.memory_space<vmem>>
      %dma_wait3A_136 = arith.constant 0 : i32
      %dma_wait3A_137 = tpu.memref_slice %arg2[%dma_wait3A_136] : memref<2000000xi32, #tpu.memory_space<hbm>> -> memref<4096xi32, #tpu.memory_space<hbm>>
      %dma_wait3A_138 = arith.constant 0 : i32
      %dma_wait3A_139 = tpu.memref_slice %arg6[%dma_wait3A_138] : memref<8192xi32, #tpu.memory_space<vmem>> -> memref<4096xi32, #tpu.memory_space<vmem>>
      %dma_wait3A_140 = arith.constant 0 : i32
      %dma_wait3A_141 = tpu.memref_slice %arg2[%dma_wait3A_140] : memref<2000000xi32, #tpu.memory_space<hbm>> -> memref<4096xi32, #tpu.memory_space<hbm>>
      tpu.wait_dma2 semaphore(%arg15 : memref<!tpu.dma_semaphore, #tpu.memory_space<semaphore_mem>>) src(%dma_wait3A_141 : memref<4096xi32, #tpu.memory_space<hbm>>) dst(%dma_wait3A_139 : memref<4096xi32, #tpu.memory_space<vmem>>)
      %dma_wait3A_142 = arith.constant 0 : i32
      %dma_wait3A_143 = tpu.memref_slice %arg7[%dma_wait3A_142] : memref<8192xi32, #tpu.memory_space<vmem>> -> memref<4096xi32, #tpu.memory_space<vmem>>
      %dma_wait3A_144 = arith.constant 0 : i32
      %dma_wait3A_145 = tpu.memref_slice %arg3[%dma_wait3A_144] : memref<2000000xi32, #tpu.memory_space<hbm>> -> memref<4096xi32, #tpu.memory_space<hbm>>
      %dma_wait3A_146 = arith.constant 0 : i32
      %dma_wait3A_147 = tpu.memref_slice %arg7[%dma_wait3A_146] : memref<8192xi32, #tpu.memory_space<vmem>> -> memref<4096xi32, #tpu.memory_space<vmem>>
      %dma_wait3A_148 = arith.constant 0 : i32
      %dma_wait3A_149 = tpu.memref_slice %arg3[%dma_wait3A_148] : memref<2000000xi32, #tpu.memory_space<hbm>> -> memref<4096xi32, #tpu.memory_space<hbm>>
      tpu.wait_dma2 semaphore(%arg15 : memref<!tpu.dma_semaphore, #tpu.memory_space<semaphore_mem>>) src(%dma_wait3A_149 : memref<4096xi32, #tpu.memory_space<hbm>>) dst(%dma_wait3A_147 : memref<4096xi32, #tpu.memory_space<vmem>>)
      %dma_wait3A_150 = arith.constant 0 : i32
      %dma_wait3A_151 = tpu.memref_slice %arg8[%dma_wait3A_150] : memref<8192xi32, #tpu.memory_space<vmem>> -> memref<4096xi32, #tpu.memory_space<vmem>>
      %dma_wait3A_152 = arith.constant 0 : i32
      %dma_wait3A_153 = tpu.memref_slice %arg4[%dma_wait3A_152] : memref<2000000xi32, #tpu.memory_space<hbm>> -> memref<4096xi32, #tpu.memory_space<hbm>>
      %dma_wait3A_154 = arith.constant 0 : i32
      %dma_wait3A_155 = tpu.memref_slice %arg8[%dma_wait3A_154] : memref<8192xi32, #tpu.memory_space<vmem>> -> memref<4096xi32, #tpu.memory_space<vmem>>
      %dma_wait3A_156 = arith.constant 0 : i32
      %dma_wait3A_157 = tpu.memref_slice %arg4[%dma_wait3A_156] : memref<2000000xi32, #tpu.memory_space<hbm>> -> memref<4096xi32, #tpu.memory_space<hbm>>
      tpu.wait_dma2 semaphore(%arg15 : memref<!tpu.dma_semaphore, #tpu.memory_space<semaphore_mem>>) src(%dma_wait3A_157 : memref<4096xi32, #tpu.memory_space<hbm>>) dst(%dma_wait3A_155 : memref<4096xi32, #tpu.memory_space<vmem>>)
      %add3A_158 = arith.constant 1 : i32
      %add3A_159 = arith.addi %add3A_129, %add3A_158 : i32
      %lt3A_160 = arith.constant 16 : i32
      %lt3A_161 = arith.cmpi slt, %add3A_159, %lt3A_160 : i32
      %convert_element_type3A_162 = arith.extui %lt3A_161 : i1 to i32
      %cond3A_163 = arith.constant 0 : i32
      %cond3A_164 = arith.cmpi ne, %convert_element_type3A_162, %cond3A_163 : i32
      scf.if %cond3A_164 {
        %add3A_178 = arith.constant 1 : i32
        %add3A_179 = arith.addi %add3A_129, %add3A_178 : i32
        %mul3A_180 = arith.constant 4096 : i32
        %mul3A_181 = arith.muli %add3A_179, %mul3A_180 : i32
        %min3A_182 = arith.constant 58404 : i32
        %min3A_183 = arith.minsi %mul3A_181, %min3A_182 : i32
        %add3A_184 = arith.addi %mul3A_2, %min3A_183 : i32
        %shift_right_arithmetic3A_185 = arith.constant 3 : i32
        %shift_right_arithmetic3A_186 = arith.shrsi %add3A_184, %shift_right_arithmetic3A_185 : i32
        %shift_left3A_187 = arith.constant 3 : i32
        %shift_left3A_188 = arith.shli %shift_right_arithmetic3A_186, %shift_left3A_187 : i32
        %multiple_of3A_189 = tpu.assume_multiple %shift_left3A_188, 8 : i32
        %rem3A_190 = arith.constant 2 : i32
        %rem3A_191 = arith.remsi %add3A_179, %rem3A_190 : i32
        %mul3A_192 = arith.constant 4096 : i32
        %mul3A_193 = arith.muli %rem3A_191, %mul3A_192 : i32
        %dma_start3A_194 = tpu.memref_slice %arg6[%mul3A_193] : memref<8192xi32, #tpu.memory_space<vmem>> -> memref<4096xi32, #tpu.memory_space<vmem>>
        %dma_start3A_195 = tpu.memref_slice %arg2[%multiple_of3A_189] : memref<2000000xi32, #tpu.memory_space<hbm>> -> memref<4096xi32, #tpu.memory_space<hbm>>
        %dma_start3A_196 = tpu.memref_slice %arg6[%mul3A_193] : memref<8192xi32, #tpu.memory_space<vmem>> -> memref<4096xi32, #tpu.memory_space<vmem>>
        %dma_start3A_197 = tpu.memref_slice %arg2[%multiple_of3A_189] : memref<2000000xi32, #tpu.memory_space<hbm>> -> memref<4096xi32, #tpu.memory_space<hbm>>
        tpu.enqueue_dma source(%dma_start3A_197 : memref<4096xi32, #tpu.memory_space<hbm>>) target(%dma_start3A_196 : memref<4096xi32, #tpu.memory_space<vmem>>) target_semaphore(%arg15 : memref<!tpu.dma_semaphore, #tpu.memory_space<semaphore_mem>>)
        %dma_start3A_198 = tpu.memref_slice %arg7[%mul3A_193] : memref<8192xi32, #tpu.memory_space<vmem>> -> memref<4096xi32, #tpu.memory_space<vmem>>
        %dma_start3A_199 = tpu.memref_slice %arg3[%multiple_of3A_189] : memref<2000000xi32, #tpu.memory_space<hbm>> -> memref<4096xi32, #tpu.memory_space<hbm>>
        %dma_start3A_200 = tpu.memref_slice %arg7[%mul3A_193] : memref<8192xi32, #tpu.memory_space<vmem>> -> memref<4096xi32, #tpu.memory_space<vmem>>
        %dma_start3A_201 = tpu.memref_slice %arg3[%multiple_of3A_189] : memref<2000000xi32, #tpu.memory_space<hbm>> -> memref<4096xi32, #tpu.memory_space<hbm>>
        tpu.enqueue_dma source(%dma_start3A_201 : memref<4096xi32, #tpu.memory_space<hbm>>) target(%dma_start3A_200 : memref<4096xi32, #tpu.memory_space<vmem>>) target_semaphore(%arg15 : memref<!tpu.dma_semaphore, #tpu.memory_space<semaphore_mem>>)
        %dma_start3A_202 = tpu.memref_slice %arg8[%mul3A_193] : memref<8192xi32, #tpu.memory_space<vmem>> -> memref<4096xi32, #tpu.memory_space<vmem>>
        %dma_start3A_203 = tpu.memref_slice %arg4[%multiple_of3A_189] : memref<2000000xi32, #tpu.memory_space<hbm>> -> memref<4096xi32, #tpu.memory_space<hbm>>
        %dma_start3A_204 = tpu.memref_slice %arg8[%mul3A_193] : memref<8192xi32, #tpu.memory_space<vmem>> -> memref<4096xi32, #tpu.memory_space<vmem>>
        %dma_start3A_205 = tpu.memref_slice %arg4[%multiple_of3A_189] : memref<2000000xi32, #tpu.memory_space<hbm>> -> memref<4096xi32, #tpu.memory_space<hbm>>
        tpu.enqueue_dma source(%dma_start3A_205 : memref<4096xi32, #tpu.memory_space<hbm>>) target(%dma_start3A_204 : memref<4096xi32, #tpu.memory_space<vmem>>) target_semaphore(%arg15 : memref<!tpu.dma_semaphore, #tpu.memory_space<semaphore_mem>>)
      } else {
      }
      %ge3A_165 = arith.constant 2 : i32
      %ge3A_166 = arith.cmpi sge, %add3A_129, %ge3A_165 : i32
      %convert_element_type3A_167 = arith.extui %ge3A_166 : i1 to i32
      %cond3A_168 = arith.constant 0 : i32
      %cond3A_169 = arith.cmpi ne, %convert_element_type3A_167, %cond3A_168 : i32
      scf.if %cond3A_169 {
        %scan3A_178 = arith.constant 0 : i32
        %scan3A_179 = arith.constant 0 : i32
        %scan3A_180 = arith.constant 32 : i32
        %scan3A_181 = arith.addi %scan3A_179, %scan3A_180 : i32
        %scan3A_182 = arith.constant 1 : i32
        %scan3A_183 = scf.for %scan3A_185 = %scan3A_179 to %scan3A_181 step %scan3A_182 iter_args(%scan3A_186 = %scan3A_178) -> (i32)  : i32 {
          %dma_wait3A_187 = arith.constant 0 : i32
          %dma_wait3A_188 = arith.constant 0 : i32
          %dma_wait3A_189 = arith.constant 0 : i32
          %dma_wait3A_190 = tpu.memref_slice %arg12[%dma_wait3A_187, %dma_wait3A_189] : memref<32x128xf32, #tpu.memory_space<vmem>> -> memref<1x128xf32, #tpu.memory_space<vmem>>
          %dma_wait3A_191 = tpu.memref_squeeze %dma_wait3A_190 : memref<1x128xf32, #tpu.memory_space<vmem>> -> memref<128xf32, #tpu.memory_space<vmem>>
          %dma_wait3A_192 = arith.constant 0 : i32
          %dma_wait3A_193 = tpu.memref_slice %arg11[%dma_wait3A_188, %dma_wait3A_192] : memref<32x128xi32, #tpu.memory_space<vmem>> -> memref<1x128xi32, #tpu.memory_space<vmem>>
          %dma_wait3A_194 = tpu.memref_squeeze %dma_wait3A_193 : memref<1x128xi32, #tpu.memory_space<vmem>> -> memref<128xi32, #tpu.memory_space<vmem>>
          %dma_wait3A_195 = arith.constant 0 : i32
          %dma_wait3A_196 = tpu.memref_slice %arg14[%dma_wait3A_195] : memref<983040xf32, #tpu.memory_space<vmem_shared>> -> memref<983040xf32, #tpu.memory_space<vmem_shared>>
          tpu.wait_indirect_dma semaphore(%arg17 : memref<!tpu.dma_semaphore, #tpu.memory_space<semaphore_mem>>) src(%dma_wait3A_191 : memref<128xf32, #tpu.memory_space<vmem>>) dst(%dma_wait3A_196 : memref<983040xf32, #tpu.memory_space<vmem_shared>>)
          %scan3A_197 = arith.constant 0 : i32
          scf.yield %scan3A_197 : i32
        }
        %scan3A_184 = arith.constant 32 : i32
      } else {
      }
      %scan3A_170 = arith.constant 0 : i32
      %scan3A_171 = arith.constant 0 : i32
      %scan3A_172 = arith.constant 32 : i32
      %scan3A_173 = arith.addi %scan3A_171, %scan3A_172 : i32
      %scan3A_174 = arith.constant 1 : i32
      %scan3A_175 = scf.for %scan3A_178 = %scan3A_171 to %scan3A_173 step %scan3A_174 iter_args(%scan3A_179 = %scan3A_170) -> (i32)  : i32 {
        %mul3A_180 = arith.constant 128 : i32
        %mul3A_181 = arith.muli %scan3A_178, %mul3A_180 : i32
        %add3A_182 = arith.addi %mul3A_133, %mul3A_181 : i32
        %add3A_183 = arith.constant 0 : i32
        %add3A_184 = arith.addi %add3A_182, %add3A_183 : i32
        %get3A = arith.index_cast %add3A_184 : i32 to index
        %get3A_185 = tpu.vector_load %arg6[%get3A] {strides = array<i32>} : memref<8192xi32, #tpu.memory_space<vmem>>, vector<16xi32>,
        %get3A_186 = vector.shape_cast %get3A_185 : vector<16xi32> to vector<16xi32>
        %get3A_187 = arith.index_cast %add3A_184 : i32 to index
        %get3A_188 = tpu.vector_load %arg7[%get3A_187] {strides = array<i32>} : memref<8192xi32, #tpu.memory_space<vmem>>, vector<16xi32>,
        %get3A_189 = vector.shape_cast %get3A_188 : vector<16xi32> to vector<16xi32>
        %get3A_190 = arith.index_cast %add3A_184 : i32 to index
        %get3A_191 = tpu.vector_load %arg8[%get3A_190] {strides = array<i32>} : memref<8192xi32, #tpu.memory_space<vmem>>, vector<16xi32>,
        %get3A_192 = vector.shape_cast %get3A_191 : vector<16xi32> to vector<16xi32>
        %mul3A_193 = arith.constant 768 : i32
        %mul3A_194 = vector.broadcast %mul3A_193 : i32 to vector<16xi32>
        %mul3A_195 = arith.muli %get3A_186, %mul3A_194 : vector<16xi32>
        %add3A_196 = arith.addi %mul3A_195, %get3A_189 : vector<16xi32>
        %eq3A = arith.constant 0 : i32
        %eq3A_197 = vector.broadcast %eq3A : i32 to vector<16xi32>
        %eq3A_198 = arith.cmpi eq, %get3A_192, %eq3A_197 : vector<16xi32>
        %jit3A = arith.constant 1.000000e+00 : f32
        %jit3A_199 = arith.constant 0x4A800000 : f32
        %broadcast_in_dim3A_200 = vector.broadcast %jit3A : f32 to vector<16xf32>
        %broadcast_in_dim3A_201 = vector.broadcast %jit3A_199 : f32 to vector<16xf32>
        %select_n3A = arith.select %eq3A_198, %broadcast_in_dim3A_200, %broadcast_in_dim3A_201 : vector<16xi1>, vector<16xf32>
        %swap3A = arith.index_cast %scan3A_178 : i32 to index
        %swap3A_202 = arith.constant 0 : index
        %swap3A_203 = tpu.vector_load %arg11[%swap3A, %swap3A_202] {strides = array<i32>} : memref<32x128xi32, #tpu.memory_space<vmem>>, vector<1x16xi32>,
        %swap3A_204 = vector.shape_cast %swap3A_203 : vector<1x16xi32> to vector<16xi32>
        %swap3A_205 = vector.shape_cast %add3A_196 : vector<16xi32> to vector<1x16xi32>
        tpu.vector_store %arg11[%swap3A, %swap3A_202], %swap3A_205 {strides = array<i32>} : memref<32x128xi32, #tpu.memory_space<vmem>>, vector<1x16xi32>,
        %swap3A_206 = arith.index_cast %scan3A_178 : i32 to index
        %swap3A_207 = arith.constant 0 : index
        %swap3A_208 = tpu.vector_load %arg12[%swap3A_206, %swap3A_207] {strides = array<i32>} : memref<32x128xf32, #tpu.memory_space<vmem>>, vector<1x16xf32>,
        %swap3A_209 = vector.shape_cast %swap3A_208 : vector<1x16xf32> to vector<16xf32>
        %swap3A_210 = vector.shape_cast %select_n3A : vector<16xf32> to vector<1x16xf32>
        tpu.vector_store %arg12[%swap3A_206, %swap3A_207], %swap3A_210 {strides = array<i32>} : memref<32x128xf32, #tpu.memory_space<vmem>>, vector<1x16xf32>,
        %mul3A_211 = arith.constant 128 : i32
        %mul3A_212 = arith.muli %scan3A_178, %mul3A_211 : i32
        %add3A_213 = arith.addi %mul3A_133, %mul3A_212 : i32
        %add3A_214 = arith.constant 16 : i32
        %add3A_215 = arith.addi %add3A_213, %add3A_214 : i32
        %get3A_216 = arith.index_cast %add3A_215 : i32 to index
        %get3A_217 = tpu.vector_load %arg6[%get3A_216] {strides = array<i32>} : memref<8192xi32, #tpu.memory_space<vmem>>, vector<16xi32>,
        %get3A_218 = vector.shape_cast %get3A_217 : vector<16xi32> to vector<16xi32>
        %get3A_219 = arith.index_cast %add3A_215 : i32 to index
        %get3A_220 = tpu.vector_load %arg7[%get3A_219] {strides = array<i32>} : memref<8192xi32, #tpu.memory_space<vmem>>, vector<16xi32>,
        %get3A_221 = vector.shape_cast %get3A_220 : vector<16xi32> to vector<16xi32>
        %get3A_222 = arith.index_cast %add3A_215 : i32 to index
        %get3A_223 = tpu.vector_load %arg8[%get3A_222] {strides = array<i32>} : memref<8192xi32, #tpu.memory_space<vmem>>, vector<16xi32>,
        %get3A_224 = vector.shape_cast %get3A_223 : vector<16xi32> to vector<16xi32>
        %mul3A_225 = arith.constant 768 : i32
        %mul3A_226 = vector.broadcast %mul3A_225 : i32 to vector<16xi32>
        %mul3A_227 = arith.muli %get3A_218, %mul3A_226 : vector<16xi32>
        %add3A_228 = arith.addi %mul3A_227, %get3A_221 : vector<16xi32>
        %eq3A_229 = arith.constant 0 : i32
        %eq3A_230 = vector.broadcast %eq3A_229 : i32 to vector<16xi32>
        %eq3A_231 = arith.cmpi eq, %get3A_224, %eq3A_230 : vector<16xi32>
        %jit3A_232 = arith.constant 1.000000e+00 : f32
        %jit3A_233 = arith.constant 0x4A800000 : f32
        %broadcast_in_dim3A_234 = vector.broadcast %jit3A_232 : f32 to vector<16xf32>
        %broadcast_in_dim3A_235 = vector.broadcast %jit3A_233 : f32 to vector<16xf32>
        %select_n3A_236 = arith.select %eq3A_231, %broadcast_in_dim3A_234, %broadcast_in_dim3A_235 : vector<16xi1>, vector<16xf32>
        %swap3A_237 = arith.index_cast %scan3A_178 : i32 to index
        %swap3A_238 = arith.constant 16 : index
        %swap3A_239 = tpu.vector_load %arg11[%swap3A_237, %swap3A_238] {strides = array<i32>} : memref<32x128xi32, #tpu.memory_space<vmem>>, vector<1x16xi32>,
        %swap3A_240 = vector.shape_cast %swap3A_239 : vector<1x16xi32> to vector<16xi32>
        %swap3A_241 = vector.shape_cast %add3A_228 : vector<16xi32> to vector<1x16xi32>
        tpu.vector_store %arg11[%swap3A_237, %swap3A_238], %swap3A_241 {strides = array<i32>} : memref<32x128xi32, #tpu.memory_space<vmem>>, vector<1x16xi32>,
        %swap3A_242 = arith.index_cast %scan3A_178 : i32 to index
        %swap3A_243 = arith.constant 16 : index
        %swap3A_244 = tpu.vector_load %arg12[%swap3A_242, %swap3A_243] {strides = array<i32>} : memref<32x128xf32, #tpu.memory_space<vmem>>, vector<1x16xf32>,
        %swap3A_245 = vector.shape_cast %swap3A_244 : vector<1x16xf32> to vector<16xf32>
        %swap3A_246 = vector.shape_cast %select_n3A_236 : vector<16xf32> to vector<1x16xf32>
        tpu.vector_store %arg12[%swap3A_242, %swap3A_243], %swap3A_246 {strides = array<i32>} : memref<32x128xf32, #tpu.memory_space<vmem>>, vector<1x16xf32>,
        %mul3A_247 = arith.constant 128 : i32
        %mul3A_248 = arith.muli %scan3A_178, %mul3A_247 : i32
        %add3A_249 = arith.addi %mul3A_133, %mul3A_248 : i32
        %add3A_250 = arith.constant 32 : i32
        %add3A_251 = arith.addi %add3A_249, %add3A_250 : i32
        %get3A_252 = arith.index_cast %add3A_251 : i32 to index
        %get3A_253 = tpu.vector_load %arg6[%get3A_252] {strides = array<i32>} : memref<8192xi32, #tpu.memory_space<vmem>>, vector<16xi32>,
        %get3A_254 = vector.shape_cast %get3A_253 : vector<16xi32> to vector<16xi32>
        %get3A_255 = arith.index_cast %add3A_251 : i32 to index
        %get3A_256 = tpu.vector_load %arg7[%get3A_255] {strides = array<i32>} : memref<8192xi32, #tpu.memory_space<vmem>>, vector<16xi32>,
        %get3A_257 = vector.shape_cast %get3A_256 : vector<16xi32> to vector<16xi32>
        %get3A_258 = arith.index_cast %add3A_251 : i32 to index
        %get3A_259 = tpu.vector_load %arg8[%get3A_258] {strides = array<i32>} : memref<8192xi32, #tpu.memory_space<vmem>>, vector<16xi32>,
        %get3A_260 = vector.shape_cast %get3A_259 : vector<16xi32> to vector<16xi32>
        %mul3A_261 = arith.constant 768 : i32
        %mul3A_262 = vector.broadcast %mul3A_261 : i32 to vector<16xi32>
        %mul3A_263 = arith.muli %get3A_254, %mul3A_262 : vector<16xi32>
        %add3A_264 = arith.addi %mul3A_263, %get3A_257 : vector<16xi32>
        %eq3A_265 = arith.constant 0 : i32
        %eq3A_266 = vector.broadcast %eq3A_265 : i32 to vector<16xi32>
        %eq3A_267 = arith.cmpi eq, %get3A_260, %eq3A_266 : vector<16xi32>
        %jit3A_268 = arith.constant 1.000000e+00 : f32
        %jit3A_269 = arith.constant 0x4A800000 : f32
        %broadcast_in_dim3A_270 = vector.broadcast %jit3A_268 : f32 to vector<16xf32>
        %broadcast_in_dim3A_271 = vector.broadcast %jit3A_269 : f32 to vector<16xf32>
        %select_n3A_272 = arith.select %eq3A_267, %broadcast_in_dim3A_270, %broadcast_in_dim3A_271 : vector<16xi1>, vector<16xf32>
        %swap3A_273 = arith.index_cast %scan3A_178 : i32 to index
        %swap3A_274 = arith.constant 32 : index
        %swap3A_275 = tpu.vector_load %arg11[%swap3A_273, %swap3A_274] {strides = array<i32>} : memref<32x128xi32, #tpu.memory_space<vmem>>, vector<1x16xi32>,
        %swap3A_276 = vector.shape_cast %swap3A_275 : vector<1x16xi32> to vector<16xi32>
        %swap3A_277 = vector.shape_cast %add3A_264 : vector<16xi32> to vector<1x16xi32>
        tpu.vector_store %arg11[%swap3A_273, %swap3A_274], %swap3A_277 {strides = array<i32>} : memref<32x128xi32, #tpu.memory_space<vmem>>, vector<1x16xi32>,
        %swap3A_278 = arith.index_cast %scan3A_178 : i32 to index
        %swap3A_279 = arith.constant 32 : index
        %swap3A_280 = tpu.vector_load %arg12[%swap3A_278, %swap3A_279] {strides = array<i32>} : memref<32x128xf32, #tpu.memory_space<vmem>>, vector<1x16xf32>,
        %swap3A_281 = vector.shape_cast %swap3A_280 : vector<1x16xf32> to vector<16xf32>
        %swap3A_282 = vector.shape_cast %select_n3A_272 : vector<16xf32> to vector<1x16xf32>
        tpu.vector_store %arg12[%swap3A_278, %swap3A_279], %swap3A_282 {strides = array<i32>} : memref<32x128xf32, #tpu.memory_space<vmem>>, vector<1x16xf32>,
        %mul3A_283 = arith.constant 128 : i32
        %mul3A_284 = arith.muli %scan3A_178, %mul3A_283 : i32
        %add3A_285 = arith.addi %mul3A_133, %mul3A_284 : i32
        %add3A_286 = arith.constant 48 : i32
        %add3A_287 = arith.addi %add3A_285, %add3A_286 : i32
        %get3A_288 = arith.index_cast %add3A_287 : i32 to index
        %get3A_289 = tpu.vector_load %arg6[%get3A_288] {strides = array<i32>} : memref<8192xi32, #tpu.memory_space<vmem>>, vector<16xi32>,
        %get3A_290 = vector.shape_cast %get3A_289 : vector<16xi32> to vector<16xi32>
        %get3A_291 = arith.index_cast %add3A_287 : i32 to index
        %get3A_292 = tpu.vector_load %arg7[%get3A_291] {strides = array<i32>} : memref<8192xi32, #tpu.memory_space<vmem>>, vector<16xi32>,
        %get3A_293 = vector.shape_cast %get3A_292 : vector<16xi32> to vector<16xi32>
        %get3A_294 = arith.index_cast %add3A_287 : i32 to index
        %get3A_295 = tpu.vector_load %arg8[%get3A_294] {strides = array<i32>} : memref<8192xi32, #tpu.memory_space<vmem>>, vector<16xi32>,
        %get3A_296 = vector.shape_cast %get3A_295 : vector<16xi32> to vector<16xi32>
        %mul3A_297 = arith.constant 768 : i32
        %mul3A_298 = vector.broadcast %mul3A_297 : i32 to vector<16xi32>
        %mul3A_299 = arith.muli %get3A_290, %mul3A_298 : vector<16xi32>
        %add3A_300 = arith.addi %mul3A_299, %get3A_293 : vector<16xi32>
        %eq3A_301 = arith.constant 0 : i32
        %eq3A_302 = vector.broadcast %eq3A_301 : i32 to vector<16xi32>
        %eq3A_303 = arith.cmpi eq, %get3A_296, %eq3A_302 : vector<16xi32>
        %jit3A_304 = arith.constant 1.000000e+00 : f32
        %jit3A_305 = arith.constant 0x4A800000 : f32
        %broadcast_in_dim3A_306 = vector.broadcast %jit3A_304 : f32 to vector<16xf32>
        %broadcast_in_dim3A_307 = vector.broadcast %jit3A_305 : f32 to vector<16xf32>
        %select_n3A_308 = arith.select %eq3A_303, %broadcast_in_dim3A_306, %broadcast_in_dim3A_307 : vector<16xi1>, vector<16xf32>
        %swap3A_309 = arith.index_cast %scan3A_178 : i32 to index
        %swap3A_310 = arith.constant 48 : index
        %swap3A_311 = tpu.vector_load %arg11[%swap3A_309, %swap3A_310] {strides = array<i32>} : memref<32x128xi32, #tpu.memory_space<vmem>>, vector<1x16xi32>,
        %swap3A_312 = vector.shape_cast %swap3A_311 : vector<1x16xi32> to vector<16xi32>
        %swap3A_313 = vector.shape_cast %add3A_300 : vector<16xi32> to vector<1x16xi32>
        tpu.vector_store %arg11[%swap3A_309, %swap3A_310], %swap3A_313 {strides = array<i32>} : memref<32x128xi32, #tpu.memory_space<vmem>>, vector<1x16xi32>,
        %swap3A_314 = arith.index_cast %scan3A_178 : i32 to index
        %swap3A_315 = arith.constant 48 : index
        %swap3A_316 = tpu.vector_load %arg12[%swap3A_314, %swap3A_315] {strides = array<i32>} : memref<32x128xf32, #tpu.memory_space<vmem>>, vector<1x16xf32>,
        %swap3A_317 = vector.shape_cast %swap3A_316 : vector<1x16xf32> to vector<16xf32>
        %swap3A_318 = vector.shape_cast %select_n3A_308 : vector<16xf32> to vector<1x16xf32>
        tpu.vector_store %arg12[%swap3A_314, %swap3A_315], %swap3A_318 {strides = array<i32>} : memref<32x128xf32, #tpu.memory_space<vmem>>, vector<1x16xf32>,
        %mul3A_319 = arith.constant 128 : i32
        %mul3A_320 = arith.muli %scan3A_178, %mul3A_319 : i32
        %add3A_321 = arith.addi %mul3A_133, %mul3A_320 : i32
        %add3A_322 = arith.constant 64 : i32
        %add3A_323 = arith.addi %add3A_321, %add3A_322 : i32
        %get3A_324 = arith.index_cast %add3A_323 : i32 to index
        %get3A_325 = tpu.vector_load %arg6[%get3A_324] {strides = array<i32>} : memref<8192xi32, #tpu.memory_space<vmem>>, vector<16xi32>,
        %get3A_326 = vector.shape_cast %get3A_325 : vector<16xi32> to vector<16xi32>
        %get3A_327 = arith.index_cast %add3A_323 : i32 to index
        %get3A_328 = tpu.vector_load %arg7[%get3A_327] {strides = array<i32>} : memref<8192xi32, #tpu.memory_space<vmem>>, vector<16xi32>,
        %get3A_329 = vector.shape_cast %get3A_328 : vector<16xi32> to vector<16xi32>
        %get3A_330 = arith.index_cast %add3A_323 : i32 to index
        %get3A_331 = tpu.vector_load %arg8[%get3A_330] {strides = array<i32>} : memref<8192xi32, #tpu.memory_space<vmem>>, vector<16xi32>,
        %get3A_332 = vector.shape_cast %get3A_331 : vector<16xi32> to vector<16xi32>
        %mul3A_333 = arith.constant 768 : i32
        %mul3A_334 = vector.broadcast %mul3A_333 : i32 to vector<16xi32>
        %mul3A_335 = arith.muli %get3A_326, %mul3A_334 : vector<16xi32>
        %add3A_336 = arith.addi %mul3A_335, %get3A_329 : vector<16xi32>
        %eq3A_337 = arith.constant 0 : i32
        %eq3A_338 = vector.broadcast %eq3A_337 : i32 to vector<16xi32>
        %eq3A_339 = arith.cmpi eq, %get3A_332, %eq3A_338 : vector<16xi32>
        %jit3A_340 = arith.constant 1.000000e+00 : f32
        %jit3A_341 = arith.constant 0x4A800000 : f32
        %broadcast_in_dim3A_342 = vector.broadcast %jit3A_340 : f32 to vector<16xf32>
        %broadcast_in_dim3A_343 = vector.broadcast %jit3A_341 : f32 to vector<16xf32>
        %select_n3A_344 = arith.select %eq3A_339, %broadcast_in_dim3A_342, %broadcast_in_dim3A_343 : vector<16xi1>, vector<16xf32>
        %swap3A_345 = arith.index_cast %scan3A_178 : i32 to index
        %swap3A_346 = arith.constant 64 : index
        %swap3A_347 = tpu.vector_load %arg11[%swap3A_345, %swap3A_346] {strides = array<i32>} : memref<32x128xi32, #tpu.memory_space<vmem>>, vector<1x16xi32>,
        %swap3A_348 = vector.shape_cast %swap3A_347 : vector<1x16xi32> to vector<16xi32>
        %swap3A_349 = vector.shape_cast %add3A_336 : vector<16xi32> to vector<1x16xi32>
        tpu.vector_store %arg11[%swap3A_345, %swap3A_346], %swap3A_349 {strides = array<i32>} : memref<32x128xi32, #tpu.memory_space<vmem>>, vector<1x16xi32>,
        %swap3A_350 = arith.index_cast %scan3A_178 : i32 to index
        %swap3A_351 = arith.constant 64 : index
        %swap3A_352 = tpu.vector_load %arg12[%swap3A_350, %swap3A_351] {strides = array<i32>} : memref<32x128xf32, #tpu.memory_space<vmem>>, vector<1x16xf32>,
        %swap3A_353 = vector.shape_cast %swap3A_352 : vector<1x16xf32> to vector<16xf32>
        %swap3A_354 = vector.shape_cast %select_n3A_344 : vector<16xf32> to vector<1x16xf32>
        tpu.vector_store %arg12[%swap3A_350, %swap3A_351], %swap3A_354 {strides = array<i32>} : memref<32x128xf32, #tpu.memory_space<vmem>>, vector<1x16xf32>,
        %mul3A_355 = arith.constant 128 : i32
        %mul3A_356 = arith.muli %scan3A_178, %mul3A_355 : i32
        %add3A_357 = arith.addi %mul3A_133, %mul3A_356 : i32
        %add3A_358 = arith.constant 80 : i32
        %add3A_359 = arith.addi %add3A_357, %add3A_358 : i32
        %get3A_360 = arith.index_cast %add3A_359 : i32 to index
        %get3A_361 = tpu.vector_load %arg6[%get3A_360] {strides = array<i32>} : memref<8192xi32, #tpu.memory_space<vmem>>, vector<16xi32>,
        %get3A_362 = vector.shape_cast %get3A_361 : vector<16xi32> to vector<16xi32>
        %get3A_363 = arith.index_cast %add3A_359 : i32 to index
        %get3A_364 = tpu.vector_load %arg7[%get3A_363] {strides = array<i32>} : memref<8192xi32, #tpu.memory_space<vmem>>, vector<16xi32>,
        %get3A_365 = vector.shape_cast %get3A_364 : vector<16xi32> to vector<16xi32>
        %get3A_366 = arith.index_cast %add3A_359 : i32 to index
        %get3A_367 = tpu.vector_load %arg8[%get3A_366] {strides = array<i32>} : memref<8192xi32, #tpu.memory_space<vmem>>, vector<16xi32>,
        %get3A_368 = vector.shape_cast %get3A_367 : vector<16xi32> to vector<16xi32>
        %mul3A_369 = arith.constant 768 : i32
        %mul3A_370 = vector.broadcast %mul3A_369 : i32 to vector<16xi32>
        %mul3A_371 = arith.muli %get3A_362, %mul3A_370 : vector<16xi32>
        %add3A_372 = arith.addi %mul3A_371, %get3A_365 : vector<16xi32>
        %eq3A_373 = arith.constant 0 : i32
        %eq3A_374 = vector.broadcast %eq3A_373 : i32 to vector<16xi32>
        %eq3A_375 = arith.cmpi eq, %get3A_368, %eq3A_374 : vector<16xi32>
        %jit3A_376 = arith.constant 1.000000e+00 : f32
        %jit3A_377 = arith.constant 0x4A800000 : f32
        %broadcast_in_dim3A_378 = vector.broadcast %jit3A_376 : f32 to vector<16xf32>
        %broadcast_in_dim3A_379 = vector.broadcast %jit3A_377 : f32 to vector<16xf32>
        %select_n3A_380 = arith.select %eq3A_375, %broadcast_in_dim3A_378, %broadcast_in_dim3A_379 : vector<16xi1>, vector<16xf32>
        %swap3A_381 = arith.index_cast %scan3A_178 : i32 to index
        %swap3A_382 = arith.constant 80 : index
        %swap3A_383 = tpu.vector_load %arg11[%swap3A_381, %swap3A_382] {strides = array<i32>} : memref<32x128xi32, #tpu.memory_space<vmem>>, vector<1x16xi32>,
        %swap3A_384 = vector.shape_cast %swap3A_383 : vector<1x16xi32> to vector<16xi32>
        %swap3A_385 = vector.shape_cast %add3A_372 : vector<16xi32> to vector<1x16xi32>
        tpu.vector_store %arg11[%swap3A_381, %swap3A_382], %swap3A_385 {strides = array<i32>} : memref<32x128xi32, #tpu.memory_space<vmem>>, vector<1x16xi32>,
        %swap3A_386 = arith.index_cast %scan3A_178 : i32 to index
        %swap3A_387 = arith.constant 80 : index
        %swap3A_388 = tpu.vector_load %arg12[%swap3A_386, %swap3A_387] {strides = array<i32>} : memref<32x128xf32, #tpu.memory_space<vmem>>, vector<1x16xf32>,
        %swap3A_389 = vector.shape_cast %swap3A_388 : vector<1x16xf32> to vector<16xf32>
        %swap3A_390 = vector.shape_cast %select_n3A_380 : vector<16xf32> to vector<1x16xf32>
        tpu.vector_store %arg12[%swap3A_386, %swap3A_387], %swap3A_390 {strides = array<i32>} : memref<32x128xf32, #tpu.memory_space<vmem>>, vector<1x16xf32>,
        %mul3A_391 = arith.constant 128 : i32
        %mul3A_392 = arith.muli %scan3A_178, %mul3A_391 : i32
        %add3A_393 = arith.addi %mul3A_133, %mul3A_392 : i32
        %add3A_394 = arith.constant 96 : i32
        %add3A_395 = arith.addi %add3A_393, %add3A_394 : i32
        %get3A_396 = arith.index_cast %add3A_395 : i32 to index
        %get3A_397 = tpu.vector_load %arg6[%get3A_396] {strides = array<i32>} : memref<8192xi32, #tpu.memory_space<vmem>>, vector<16xi32>,
        %get3A_398 = vector.shape_cast %get3A_397 : vector<16xi32> to vector<16xi32>
        %get3A_399 = arith.index_cast %add3A_395 : i32 to index
        %get3A_400 = tpu.vector_load %arg7[%get3A_399] {strides = array<i32>} : memref<8192xi32, #tpu.memory_space<vmem>>, vector<16xi32>,
        %get3A_401 = vector.shape_cast %get3A_400 : vector<16xi32> to vector<16xi32>
        %get3A_402 = arith.index_cast %add3A_395 : i32 to index
        %get3A_403 = tpu.vector_load %arg8[%get3A_402] {strides = array<i32>} : memref<8192xi32, #tpu.memory_space<vmem>>, vector<16xi32>,
        %get3A_404 = vector.shape_cast %get3A_403 : vector<16xi32> to vector<16xi32>
        %mul3A_405 = arith.constant 768 : i32
        %mul3A_406 = vector.broadcast %mul3A_405 : i32 to vector<16xi32>
        %mul3A_407 = arith.muli %get3A_398, %mul3A_406 : vector<16xi32>
        %add3A_408 = arith.addi %mul3A_407, %get3A_401 : vector<16xi32>
        %eq3A_409 = arith.constant 0 : i32
        %eq3A_410 = vector.broadcast %eq3A_409 : i32 to vector<16xi32>
        %eq3A_411 = arith.cmpi eq, %get3A_404, %eq3A_410 : vector<16xi32>
        %jit3A_412 = arith.constant 1.000000e+00 : f32
        %jit3A_413 = arith.constant 0x4A800000 : f32
        %broadcast_in_dim3A_414 = vector.broadcast %jit3A_412 : f32 to vector<16xf32>
        %broadcast_in_dim3A_415 = vector.broadcast %jit3A_413 : f32 to vector<16xf32>
        %select_n3A_416 = arith.select %eq3A_411, %broadcast_in_dim3A_414, %broadcast_in_dim3A_415 : vector<16xi1>, vector<16xf32>
        %swap3A_417 = arith.index_cast %scan3A_178 : i32 to index
        %swap3A_418 = arith.constant 96 : index
        %swap3A_419 = tpu.vector_load %arg11[%swap3A_417, %swap3A_418] {strides = array<i32>} : memref<32x128xi32, #tpu.memory_space<vmem>>, vector<1x16xi32>,
        %swap3A_420 = vector.shape_cast %swap3A_419 : vector<1x16xi32> to vector<16xi32>
        %swap3A_421 = vector.shape_cast %add3A_408 : vector<16xi32> to vector<1x16xi32>
        tpu.vector_store %arg11[%swap3A_417, %swap3A_418], %swap3A_421 {strides = array<i32>} : memref<32x128xi32, #tpu.memory_space<vmem>>, vector<1x16xi32>,
        %swap3A_422 = arith.index_cast %scan3A_178 : i32 to index
        %swap3A_423 = arith.constant 96 : index
        %swap3A_424 = tpu.vector_load %arg12[%swap3A_422, %swap3A_423] {strides = array<i32>} : memref<32x128xf32, #tpu.memory_space<vmem>>, vector<1x16xf32>,
        %swap3A_425 = vector.shape_cast %swap3A_424 : vector<1x16xf32> to vector<16xf32>
        %swap3A_426 = vector.shape_cast %select_n3A_416 : vector<16xf32> to vector<1x16xf32>
        tpu.vector_store %arg12[%swap3A_422, %swap3A_423], %swap3A_426 {strides = array<i32>} : memref<32x128xf32, #tpu.memory_space<vmem>>, vector<1x16xf32>,
        %mul3A_427 = arith.constant 128 : i32
        %mul3A_428 = arith.muli %scan3A_178, %mul3A_427 : i32
        %add3A_429 = arith.addi %mul3A_133, %mul3A_428 : i32
        %add3A_430 = arith.constant 112 : i32
        %add3A_431 = arith.addi %add3A_429, %add3A_430 : i32
        %get3A_432 = arith.index_cast %add3A_431 : i32 to index
        %get3A_433 = tpu.vector_load %arg6[%get3A_432] {strides = array<i32>} : memref<8192xi32, #tpu.memory_space<vmem>>, vector<16xi32>,
        %get3A_434 = vector.shape_cast %get3A_433 : vector<16xi32> to vector<16xi32>
        %get3A_435 = arith.index_cast %add3A_431 : i32 to index
        %get3A_436 = tpu.vector_load %arg7[%get3A_435] {strides = array<i32>} : memref<8192xi32, #tpu.memory_space<vmem>>, vector<16xi32>,
        %get3A_437 = vector.shape_cast %get3A_436 : vector<16xi32> to vector<16xi32>
        %get3A_438 = arith.index_cast %add3A_431 : i32 to index
        %get3A_439 = tpu.vector_load %arg8[%get3A_438] {strides = array<i32>} : memref<8192xi32, #tpu.memory_space<vmem>>, vector<16xi32>,
        %get3A_440 = vector.shape_cast %get3A_439 : vector<16xi32> to vector<16xi32>
        %mul3A_441 = arith.constant 768 : i32
        %mul3A_442 = vector.broadcast %mul3A_441 : i32 to vector<16xi32>
        %mul3A_443 = arith.muli %get3A_434, %mul3A_442 : vector<16xi32>
        %add3A_444 = arith.addi %mul3A_443, %get3A_437 : vector<16xi32>
        %eq3A_445 = arith.constant 0 : i32
        %eq3A_446 = vector.broadcast %eq3A_445 : i32 to vector<16xi32>
        %eq3A_447 = arith.cmpi eq, %get3A_440, %eq3A_446 : vector<16xi32>
        %jit3A_448 = arith.constant 1.000000e+00 : f32
        %jit3A_449 = arith.constant 0x4A800000 : f32
        %broadcast_in_dim3A_450 = vector.broadcast %jit3A_448 : f32 to vector<16xf32>
        %broadcast_in_dim3A_451 = vector.broadcast %jit3A_449 : f32 to vector<16xf32>
        %select_n3A_452 = arith.select %eq3A_447, %broadcast_in_dim3A_450, %broadcast_in_dim3A_451 : vector<16xi1>, vector<16xf32>
        %swap3A_453 = arith.index_cast %scan3A_178 : i32 to index
        %swap3A_454 = arith.constant 112 : index
        %swap3A_455 = tpu.vector_load %arg11[%swap3A_453, %swap3A_454] {strides = array<i32>} : memref<32x128xi32, #tpu.memory_space<vmem>>, vector<1x16xi32>,
        %swap3A_456 = vector.shape_cast %swap3A_455 : vector<1x16xi32> to vector<16xi32>
        %swap3A_457 = vector.shape_cast %add3A_444 : vector<16xi32> to vector<1x16xi32>
        tpu.vector_store %arg11[%swap3A_453, %swap3A_454], %swap3A_457 {strides = array<i32>} : memref<32x128xi32, #tpu.memory_space<vmem>>, vector<1x16xi32>,
        %swap3A_458 = arith.index_cast %scan3A_178 : i32 to index
        %swap3A_459 = arith.constant 112 : index
        %swap3A_460 = tpu.vector_load %arg12[%swap3A_458, %swap3A_459] {strides = array<i32>} : memref<32x128xf32, #tpu.memory_space<vmem>>, vector<1x16xf32>,
        %swap3A_461 = vector.shape_cast %swap3A_460 : vector<1x16xf32> to vector<16xf32>
        %swap3A_462 = vector.shape_cast %select_n3A_452 : vector<16xf32> to vector<1x16xf32>
        tpu.vector_store %arg12[%swap3A_458, %swap3A_459], %swap3A_462 {strides = array<i32>} : memref<32x128xf32, #tpu.memory_space<vmem>>, vector<1x16xf32>,
        %dma_start3A_463 = arith.constant 0 : i32
        %dma_start3A_464 = tpu.memref_slice %arg12[%scan3A_178, %dma_start3A_463] : memref<32x128xf32, #tpu.memory_space<vmem>> -> memref<1x128xf32, #tpu.memory_space<vmem>>
        %dma_start3A_465 = tpu.memref_squeeze %dma_start3A_464 : memref<1x128xf32, #tpu.memory_space<vmem>> -> memref<128xf32, #tpu.memory_space<vmem>>
        %dma_start3A_466 = arith.constant 0 : i32
        %dma_start3A_467 = tpu.memref_slice %arg11[%scan3A_178, %dma_start3A_466] : memref<32x128xi32, #tpu.memory_space<vmem>> -> memref<1x128xi32, #tpu.memory_space<vmem>>
        %dma_start3A_468 = tpu.memref_squeeze %dma_start3A_467 : memref<1x128xi32, #tpu.memory_space<vmem>> -> memref<128xi32, #tpu.memory_space<vmem>>
        %dma_start3A_469 = arith.constant 0 : i32
        %dma_start3A_470 = tpu.memref_slice %arg14[%dma_start3A_469] : memref<983040xf32, #tpu.memory_space<vmem_shared>> -> memref<983040xf32, #tpu.memory_space<vmem_shared>>
        tpu.enqueue_indirect_dma source(%dma_start3A_465 : memref<128xf32, #tpu.memory_space<vmem>>) target(%dma_start3A_470 : memref<983040xf32, #tpu.memory_space<vmem_shared>>) offsets(%dma_start3A_468 : memref<128xi32, #tpu.memory_space<vmem>>) semaphore(%arg17 : memref<!tpu.dma_semaphore, #tpu.memory_space<semaphore_mem>>) {add = true}
        %scan3A_471 = arith.constant 0 : i32
        scf.yield %scan3A_471 : i32
      }
      %scan3A_176 = arith.constant 32 : i32
      %scan3A_177 = arith.constant 0 : i32
      scf.yield %scan3A_177 : i32
    }
    %scan3A_50 = arith.constant 8 : i32
    %scan3A_51 = arith.constant 0 : i32
    %scan3A_52 = arith.constant 0 : i32
    %scan3A_53 = arith.constant 32 : i32
    %scan3A_54 = arith.addi %scan3A_52, %scan3A_53 : i32
    %scan3A_55 = arith.constant 1 : i32
    %scan3A_56 = scf.for %scan3A_80 = %scan3A_52 to %scan3A_54 step %scan3A_55 iter_args(%scan3A_81 = %scan3A_51) -> (i32)  : i32 {
      %dma_wait3A = arith.constant 0 : i32
      %dma_wait3A_82 = arith.constant 0 : i32
      %dma_wait3A_83 = arith.constant 0 : i32
      %dma_wait3A_84 = tpu.memref_slice %arg10[%dma_wait3A, %dma_wait3A_83] : memref<32x128xf32, #tpu.memory_space<vmem>> -> memref<1x128xf32, #tpu.memory_space<vmem>>
      %dma_wait3A_85 = tpu.memref_squeeze %dma_wait3A_84 : memref<1x128xf32, #tpu.memory_space<vmem>> -> memref<128xf32, #tpu.memory_space<vmem>>
      %dma_wait3A_86 = arith.constant 0 : i32
      %dma_wait3A_87 = tpu.memref_slice %arg9[%dma_wait3A_82, %dma_wait3A_86] : memref<32x128xi32, #tpu.memory_space<vmem>> -> memref<1x128xi32, #tpu.memory_space<vmem>>
      %dma_wait3A_88 = tpu.memref_squeeze %dma_wait3A_87 : memref<1x128xi32, #tpu.memory_space<vmem>> -> memref<128xi32, #tpu.memory_space<vmem>>
      %dma_wait3A_89 = arith.constant 0 : i32
      %dma_wait3A_90 = tpu.memref_slice %arg14[%dma_wait3A_89] : memref<983040xf32, #tpu.memory_space<vmem_shared>> -> memref<983040xf32, #tpu.memory_space<vmem_shared>>
      tpu.wait_indirect_dma semaphore(%arg16 : memref<!tpu.dma_semaphore, #tpu.memory_space<semaphore_mem>>) src(%dma_wait3A_85 : memref<128xf32, #tpu.memory_space<vmem>>) dst(%dma_wait3A_90 : memref<983040xf32, #tpu.memory_space<vmem_shared>>)
      %scan3A_91 = arith.constant 0 : i32
      scf.yield %scan3A_91 : i32
    }
    %scan3A_57 = arith.constant 32 : i32
    %scan3A_58 = arith.constant 0 : i32
    %scan3A_59 = arith.constant 0 : i32
    %scan3A_60 = arith.constant 32 : i32
    %scan3A_61 = arith.addi %scan3A_59, %scan3A_60 : i32
    %scan3A_62 = arith.constant 1 : i32
    %scan3A_63 = scf.for %scan3A_80 = %scan3A_59 to %scan3A_61 step %scan3A_62 iter_args(%scan3A_81 = %scan3A_58) -> (i32)  : i32 {
      %dma_wait3A = arith.constant 0 : i32
      %dma_wait3A_82 = arith.constant 0 : i32
      %dma_wait3A_83 = arith.constant 0 : i32
      %dma_wait3A_84 = tpu.memref_slice %arg12[%dma_wait3A, %dma_wait3A_83] : memref<32x128xf32, #tpu.memory_space<vmem>> -> memref<1x128xf32, #tpu.memory_space<vmem>>
      %dma_wait3A_85 = tpu.memref_squeeze %dma_wait3A_84 : memref<1x128xf32, #tpu.memory_space<vmem>> -> memref<128xf32, #tpu.memory_space<vmem>>
      %dma_wait3A_86 = arith.constant 0 : i32
      %dma_wait3A_87 = tpu.memref_slice %arg11[%dma_wait3A_82, %dma_wait3A_86] : memref<32x128xi32, #tpu.memory_space<vmem>> -> memref<1x128xi32, #tpu.memory_space<vmem>>
      %dma_wait3A_88 = tpu.memref_squeeze %dma_wait3A_87 : memref<1x128xi32, #tpu.memory_space<vmem>> -> memref<128xi32, #tpu.memory_space<vmem>>
      %dma_wait3A_89 = arith.constant 0 : i32
      %dma_wait3A_90 = tpu.memref_slice %arg14[%dma_wait3A_89] : memref<983040xf32, #tpu.memory_space<vmem_shared>> -> memref<983040xf32, #tpu.memory_space<vmem_shared>>
      tpu.wait_indirect_dma semaphore(%arg17 : memref<!tpu.dma_semaphore, #tpu.memory_space<semaphore_mem>>) src(%dma_wait3A_85 : memref<128xf32, #tpu.memory_space<vmem>>) dst(%dma_wait3A_90 : memref<983040xf32, #tpu.memory_space<vmem_shared>>)
      %scan3A_91 = arith.constant 0 : i32
      scf.yield %scan3A_91 : i32
    }
    %scan3A_64 = arith.constant 32 : i32
    %barrier3A_65 = arith.constant 0 : index
    tpu.barrier barrier_id(%barrier3A_65)
    %scan3A_66 = arith.constant 0 : i32
    %scan3A_67 = arith.constant 0 : i32
    %scan3A_68 = arith.constant 80 : i32
    %scan3A_69 = arith.addi %scan3A_67, %scan3A_68 : i32
    %scan3A_70 = arith.constant 1 : i32
    %scan3A_71 = scf.for %scan3A_80 = %scan3A_67 to %scan3A_69 step %scan3A_70 iter_args(%scan3A_81 = %scan3A_66) -> (i32)  : i32 {
      %mul3A_82 = arith.constant 80 : i32
      %mul3A_83 = arith.muli %arg1, %mul3A_82 : i32
      %add3A_84 = arith.addi %mul3A_83, %scan3A_80 : i32
      %mul3A_85 = arith.constant 768 : i32
      %mul3A_86 = arith.muli %add3A_84, %mul3A_85 : i32
      %mul3A_87 = arith.constant 80 : i32
      %mul3A_88 = arith.muli %arg1, %mul3A_87 : i32
      %add3A_89 = arith.addi %mul3A_88, %scan3A_80 : i32
      %dma_start3A_90 = arith.constant 0 : i32
      %dma_start3A_91 = tpu.memref_slice %arg5[%arg0, %add3A_89, %dma_start3A_90] : memref<2x1280x768xf32, #tpu.memory_space<hbm>> -> memref<1x1x768xf32, #tpu.memory_space<hbm>>
      %dma_start3A_92 = tpu.memref_squeeze %dma_start3A_91 : memref<1x1x768xf32, #tpu.memory_space<hbm>> -> memref<768xf32, #tpu.memory_space<hbm>>
      %dma_start3A_93 = tpu.memref_slice %arg14[%mul3A_86] : memref<983040xf32, #tpu.memory_space<vmem_shared>> -> memref<768xf32, #tpu.memory_space<vmem_shared>>
      tpu.enqueue_dma source(%dma_start3A_93 : memref<768xf32, #tpu.memory_space<vmem_shared>>) target(%dma_start3A_92 : memref<768xf32, #tpu.memory_space<hbm>>) target_semaphore(%arg15 : memref<!tpu.dma_semaphore, #tpu.memory_space<semaphore_mem>>)
      %scan3A_94 = arith.constant 0 : i32
      scf.yield %scan3A_94 : i32
    }
    %scan3A_72 = arith.constant 80 : i32
    %scan3A_73 = arith.constant 0 : i32
    %scan3A_74 = arith.constant 0 : i32
    %scan3A_75 = arith.constant 80 : i32
    %scan3A_76 = arith.addi %scan3A_74, %scan3A_75 : i32
    %scan3A_77 = arith.constant 1 : i32
    %scan3A_78 = scf.for %scan3A_80 = %scan3A_74 to %scan3A_76 step %scan3A_77 iter_args(%scan3A_81 = %scan3A_73) -> (i32)  : i32 {
      %dma_wait3A = arith.constant 0 : i32
      %dma_wait3A_82 = arith.constant 0 : i32
      %dma_wait3A_83 = tpu.memref_slice %arg5[%arg0, %dma_wait3A, %dma_wait3A_82] : memref<2x1280x768xf32, #tpu.memory_space<hbm>> -> memref<1x1x768xf32, #tpu.memory_space<hbm>>
      %dma_wait3A_84 = tpu.memref_squeeze %dma_wait3A_83 : memref<1x1x768xf32, #tpu.memory_space<hbm>> -> memref<768xf32, #tpu.memory_space<hbm>>
      %dma_wait3A_85 = arith.constant 0 : i32
      %dma_wait3A_86 = tpu.memref_slice %arg14[%dma_wait3A_85] : memref<983040xf32, #tpu.memory_space<vmem_shared>> -> memref<768xf32, #tpu.memory_space<vmem_shared>>
      tpu.wait_dma2 semaphore(%arg15 : memref<!tpu.dma_semaphore, #tpu.memory_space<semaphore_mem>>) src(%dma_wait3A_86 : memref<768xf32, #tpu.memory_space<vmem_shared>>) dst(%dma_wait3A_84 : memref<768xf32, #tpu.memory_space<hbm>>)
      %scan3A_87 = arith.constant 0 : i32
      scf.yield %scan3A_87 : i32
    }
    %scan3A_79 = arith.constant 80 : i32
    return
  }
}

module attributes {stable_mosaic.version = 14 : i64} {
  func.func @_merge_body(%arg0: i32, %arg1: memref<2x640x768xf32, #tpu.memory_space<vmem>>, %arg2: memref<640x720xi8, #tpu.memory_space<vmem>>) attributes {dimension_semantics = [#tpu.dimension_semantics<arbitrary>], iteration_bounds = array<i64: 2>, scalar_prefetch = 0 : i64, scratch_operands = 0 : i64, tpu.core_type = #tpu.core_type<tc>, window_params = [{transform_indices = @transform_0, window_bounds = array<i64: 2, 640, 768>}, {transform_indices = @transform_1, window_bounds = array<i64: 640, 720>}]} {
    %get3A = arith.constant 0 : index
    %get3A_0 = arith.constant 0 : index
    %get3A_1 = arith.constant 0 : index
    %get3A_2 = vector.load %arg1[%get3A, %get3A_0, %get3A_1] : memref<2x640x768xf32, #tpu.memory_space<vmem>>, vector<1x640x720xf32>
    %get3A_3 = vector.shape_cast %get3A_2 : vector<1x640x720xf32> to vector<640x720xf32>
    %get3A_4 = arith.constant 1 : index
    %get3A_5 = arith.constant 0 : index
    %get3A_6 = arith.constant 0 : index
    %get3A_7 = vector.load %arg1[%get3A_4, %get3A_5, %get3A_6] : memref<2x640x768xf32, #tpu.memory_space<vmem>>, vector<1x640x720xf32>
    %get3A_8 = vector.shape_cast %get3A_7 : vector<1x640x720xf32> to vector<640x720xf32>
    %add3A = arith.addf %get3A_3, %get3A_8 : vector<640x720xf32>
    %ge3A = arith.constant 0x4A800000 : f32
    %ge3A_9 = vector.broadcast %ge3A : f32 to vector<640x720xf32>
    %ge3A_10 = arith.cmpf oge, %add3A, %ge3A_9 : vector<640x720xf32>
    %gt3A = arith.constant 0.000000e+00 : f32
    %gt3A_11 = vector.broadcast %gt3A : f32 to vector<640x720xf32>
    %gt3A_12 = arith.cmpf ogt, %add3A, %gt3A_11 : vector<640x720xf32>
    %jit3A = arith.constant 0 : i32
    %jit3A_13 = arith.constant 127 : i32
    %broadcast_in_dim3A = vector.broadcast %jit3A : i32 to vector<640x720xi32>
    %broadcast_in_dim3A_14 = vector.broadcast %jit3A_13 : i32 to vector<640x720xi32>
    %select_n3A = arith.select %gt3A_12, %broadcast_in_dim3A, %broadcast_in_dim3A_14 : vector<640x720xi1>, vector<640x720xi32>
    %jit3A_15 = arith.constant 255 : i32
    %broadcast_in_dim3A_16 = vector.broadcast %jit3A_15 : i32 to vector<640x720xi32>
    %select_n3A_17 = arith.select %ge3A_10, %broadcast_in_dim3A_16, %select_n3A : vector<640x720xi1>, vector<640x720xi32>
    %convert_element_type3A = arith.trunci %select_n3A_17 : vector<640x720xi32> to vector<640x720xi8>
    %swap3A = arith.constant 0 : index
    %swap3A_18 = arith.constant 0 : index
    %swap3A_19 = vector.load %arg2[%swap3A, %swap3A_18] : memref<640x720xi8, #tpu.memory_space<vmem>>, vector<640x720xi8>
    tpu.vector_store %arg2[%swap3A, %swap3A_18], %convert_element_type3A {strides = array<i32>} : memref<640x720xi8, #tpu.memory_space<vmem>>, vector<640x720xi8>,
    return
  }
  func.func @transform_0(%arg0: i32) -> (i32, i32, i32) {
    %c0_i32 = arith.constant 0 : i32
    %c0_i32_0 = arith.constant 0 : i32
    %c0_i32_1 = arith.constant 0 : i32
    return %c0_i32, %arg0, %c0_i32_0 : i32, i32, i32
  }
  func.func @transform_1(%arg0: i32) -> (i32, i32) {
    %c0_i32 = arith.constant 0 : i32
    %c0_i32_0 = arith.constant 0 : i32
    return %arg0, %c0_i32 : i32, i32
  }
}

</mosaic_0001>

<sc_bundles>
// kernel: kernel.4.cloned.1.call-start
scs
__scs_entry_jumppad:
0x0: {  	(pc) =	sbr.rel $0x88, $3  }
0x1: {  	(tag) =	ssettag $0x0;
	lr =	simm.s32 $0x1  }
0x2: {  	[smem:$0x3F9E] =	sst lr;
	_ =	strace $0xD0000000  }
0x3: {  	_ = 	snop  }
0x4: {  	_ = 	snop  }
0x5: {  	_ = 	snop  }
0x6: {  	_ = 	snop  }
0x7: {  	_ = 	snop  }
__scs_overlays_trampoline_lowered:
0x8: {  	[smem:$0x3FAD] =	sst s0  }
0x9: {  	[smem:$0x3FAE] =	sst s1  }
0xa: {  	[smem:$0x3FAF] =	sst s2  }
0xb: {  	[smem:$0x3FB0] =	sst s3  }
0xc: {  	[smem:$0x3FB1] =	sst s4  }
0xd: {  	[smem:$0x3FB2] =	sst s5  }
0xe: {  	[smem:$0x3FB3] =	sst s6  }
0xf: {  	[smem:$0x3FB4] =	sst s7  }
0x10: {  	[smem:$0x3FB5] =	sst s8  }
0x11: {  	[smem:$0x3FB6] =	sst s9;
	s0 =	simm.s32 @!p0 $0x0  }
0x12: {  	s1 =	sld [smem:$0x3F9C];
	s0 =	simm.s32 @p0 $0x1  }
0x13: {  	[smem:$0x3FB7] =	sst s0;
	s0 =	simm.s32 @!p1 $0x0  }
0x14: {  	s2 =	sld [smem:$0x3F9B];
	s0 =	simm.s32 @p1 $0x1  }
0x15: {  	[smem:$0x3FB8] =	sst s0;
	s0 =	simm.s32 @!p2 $0x0  }
0x16: {  	s3 =	sld [smem:$0x3FDB];
	s0 =	simm.s32 @p2 $0x1  }
0x17: {  	s4 =	simm.s32 $0x1BF5;
	[smem:$0x3FBA] =	sst s0  }
0x18: {  	s0 =	sld [smem:$0x3F9D];
	_ =	swait.ge [sflag:s4], $0x0  }
0x19: {  	s7 =	sld [smem:$0x3F9E]  }
0x1a: {  	s8 =	sadd.s32 $0xFFFFE003, lr  }
0x1b: {  	s9 =	sadd.s32 $0xFFFFFEF7, lr;
	s5 =	simm.s32 $0xFFFFFFFF;
	p2 =	slt.u32 s8, $0xFFFFF086  }
0x1c: {  	p1 =	slt.u32 s9, $0xF7A;
	s5 =	simm.s32 @!p2 $0x0  }
0x1d: {  	s5 =	simm.s32 @p1 $0x1;
	p0 =	seq.s32 s7, s2  }
0x1e: {  	s7 =	smul.u32 @!p0 $0xF7A, s2;
	p2 =	seq.s32 @!p0 s5, $0x0  }
0x1f: {  	s9 =	smul.u32 $0xF7A, s1;
	s8 =	simm.s32 @!p0 $0x1BF5;
	p2 =	por !p2, p0  }
0x20: {  	[sflag:s8] =	ssyncset.s32 @!p0 $0xFFFFF086;
	s6 =	sadd.s32 @!p0 s3, s7;
	s7 =	simm.s32 @!p0 $0x108  }
0x21: {  	s3 =	sadd.s32 s3, s9;
	s6 =	sadd.s32 @!p0 $0x88, s6;
	s7 =	simm.s32 @p2 $0x1082  }
0x22: {  	[simem:s7], [sflag:s8] =	dma.local @!p0 [hbm:s6], $0xF7A  }
0x23: {  	s9 =	sor.u32 $0xD0000000, s2;
	s6 =	simm.s32 $0x108;
	_ =	swait.ge @!p0 [sflag:s8], $0x0  }
0x24: {  	s3 =	sadd.s32 $0x88, s3;
	s6 =	simm.s32 @!p1 $0x1082;
	[sflag:s4] =	ssyncset.s32 $0xFFFFF086  }
0x25: {  	[simem:s6], [sflag:s4] =	dma.local [hbm:s3], $0xF7A  }
0x26: {  	[smem:$0x3F9E] =	sst s1;
	(tag) =	ssettag s2;
	_ =	strace s9  }
0x27: {  	s1 =	sld [smem:$0x3FAE]  }
0x28: {  	s2 =	sld [smem:$0x3FAF]  }
0x29: {  	s4 =	sld [smem:$0x3FB1]  }
0x2a: {  	p0 =	seq.s32 s5, $0x0;
	s5 =	sld [smem:$0x3FB2]  }
0x2b: {  	s6 =	sld [smem:$0x3FB3]  }
0x2c: {  	s7 =	sld [smem:$0x3FB4]  }
0x2d: {  	s3 =	simm.s32 $0x108;
	s8 =	sld [smem:$0x3FB5]  }
0x2e: {  	s3 =	simm.s32 @!p0 $0x1082;
	s9 =	sld [smem:$0x3FB6]  }
0x2f: {  	lr =	sadd.s32 s0, s3;
	s0 =	sld [smem:$0x3FAD]  }
0x30: {  	s3 =	sld [smem:$0x3FB0]  }
0x31: {  	[smem:$0x3FB9] =	sst s10  }
0x32: {  	s10 =	sld [smem:$0x3FB7];
	_ =	sdelay $0x3  }
0x33: {  	p0 =	seq.s32 s10, $0x1;
	s10 =	sld [smem:$0x3FB9];
	_ =	sdelay $0x3  }
0x34: {  	[smem:$0x3FB9] =	sst s10  }
0x35: {  	s10 =	sld [smem:$0x3FB8];
	_ =	sdelay $0x3  }
0x36: {  	p1 =	seq.s32 s10, $0x1;
	s10 =	sld [smem:$0x3FB9];
	_ =	sdelay $0x3  }
0x37: {  	[smem:$0x3FB9] =	sst s10  }
0x38: {  	s10 =	sld [smem:$0x3FBA]  }
0x39: {  	_ = 	snop;
	(pc) =	sbr.ind lr, $3  }
0x3a: {  	_ = 	snop  }
0x3b: {  	_ = 	snop  }
0x3c: {  	p2 =	seq.s32 s10, $0x1;
	s10 =	sld [smem:$0x3FB9]  }
0x3d: {  	_ =	shalt  }
0x3e: {  	_ =	shalt  }
0x3f: {  	_ =	shalt  }
0x40: {  	_ =	shalt  }
0x41: {  	_ =	shalt  }
0x42: {  	_ =	shalt  }
0x43: {  	_ =	shalt  }
0x44: {  	_ =	shalt  }
0x45: {  	_ =	shalt  }
0x46: {  	_ =	shalt  }
0x47: {  	_ =	shalt  }
0x48: {  	_ =	shalt  }
0x49: {  	_ =	shalt  }
0x4a: {  	_ =	shalt  }
0x4b: {  	_ =	shalt  }
0x4c: {  	_ =	shalt  }
0x4d: {  	_ =	shalt  }
0x4e: {  	_ =	shalt  }
0x4f: {  	_ =	shalt  }
0x50: {  	_ =	shalt  }
0x51: {  	_ =	shalt  }
0x52: {  	_ =	shalt  }
0x53: {  	_ =	shalt  }
0x54: {  	_ =	shalt  }
0x55: {  	_ =	shalt  }
0x56: {  	_ =	shalt  }
0x57: {  	_ =	shalt  }
0x58: {  	_ =	shalt  }
0x59: {  	_ =	shalt  }
0x5a: {  	_ =	shalt  }
0x5b: {  	_ =	shalt  }
0x5c: {  	_ =	shalt  }
0x5d: {  	_ =	shalt  }
0x5e: {  	_ =	shalt  }
0x5f: {  	_ =	shalt  }
0x60: {  	_ =	shalt  }
0x61: {  	_ =	shalt  }
0x62: {  	_ =	shalt  }
0x63: {  	_ =	shalt  }
0x64: {  	_ =	shalt  }
0x65: {  	_ =	shalt  }
0x66: {  	_ =	shalt  }
0x67: {  	_ =	shalt  }
0x68: {  	_ =	shalt  }
0x69: {  	_ =	shalt  }
0x6a: {  	_ =	shalt  }
0x6b: {  	_ =	shalt  }
0x6c: {  	_ =	shalt  }
0x6d: {  	_ =	shalt  }
0x6e: {  	_ =	shalt  }
0x6f: {  	_ =	shalt  }
0x70: {  	_ =	shalt  }
0x71: {  	_ =	shalt  }
0x72: {  	_ =	shalt  }
0x73: {  	_ =	shalt  }
0x74: {  	_ =	shalt  }
0x75: {  	_ =	shalt  }
0x76: {  	_ =	shalt  }
0x77: {  	_ =	shalt  }
0x78: {  	_ =	shalt  }
0x79: {  	_ =	shalt  }
0x7a: {  	_ =	shalt  }
0x7b: {  	_ =	shalt  }
0x7c: {  	_ =	shalt  }
0x7d: {  	_ =	shalt  }
0x7e: {  	_ =	shalt  }
0x7f: {  	_ =	shalt  }
0x80: {  	_ =	shalt  }
0x81: {  	_ =	shalt  }
0x82: {  	_ =	shalt  }
0x83: {  	_ =	shalt  }
0x84: {  	_ =	shalt  }
0x85: {  	_ =	shalt  }
0x86: {  	_ =	shalt  }
0x87: {  	_ =	shalt  }
.Lfunc_end0:
.L_simem_size_0:
called_computation_lowered:
.L_overlay_start_0:
0x88: {  	s2 =	sld [smem:$0x3FD9]  }
0x89: {  	s3 =	sld [smem:$0x3FFE];
	_ =	sdelay $0x1  }
0x8a: {  	s1 =	srdreg.scid  }
0x8b: {  	s0 =	sand.u32 $0x1, s1  }
0x8c: {  	s17 =	sshll.u32 s0, $0xA;
	s2 =	sadd.s32 s3, s2  }
0x8d: {  	s2 =	sadd.s32 s2, s17  }
0x8e: {  	[smem:$0x3FC5] =	sst s2  }
0x8f: {  	_ = 	snop  }
0x90: {  	s2 =	sld [smem:$0x3FC9]  }
0x91: {  	s18 =	sld [smem:$0x3FC8]  }
0x92: {  	s4 =	sld [smem:$0x3FC7];
	(tm) =	ssettm $0x1  }
0x93: {  	s5 =	sld [smem:$0x3FFB];
	_ =	sdelay $0x3  }
0x94: {  	_ =	strace s5  }
0x95: {  	s5 =	sld [smem:$0x3FFC];
	_ =	sdelay $0x3  }
0x96: {  	_ =	strace s5  }
0x97: {  	s5 =	sld [smem:$0x3FFD];
	_ =	sdelay $0x3  }
0x98: {  	_ =	strace s5  }
0x99: {  	_ =	strace $0x8FFFFFFF  }
0x9a: {  	s19 =	sld [smem:$0x3FDB];
	_ =	sdelay $0x1  }
0x9b: {  	s6 =	simm.s32 $_scs_section_size  }
0x9c: {  	s7 =	simm.s32 $_size__tile_overlayer_lowered;
	s8 =	simm.s32 $_tile_overlayer_lowered  }
0x9d: {  	s22 =	simm.s32 $0x1BFF;
	s21 =	sshll.u32 s8, $0x1;
	s5 =	sadd.s32 s6, s19  }
0x9e: {  	s9 =	simm.s32 $0x0;
	s20 =	sshll.u32 s7, $0x1;
	s7 =	sadd.s32 s21, s5  }
0x9f: {  	[timem:s9], [sflag:s22] =	dma.local [hbm:s7], s20  }
0xa0: {  	_ =	swait.ge [sflag:s22], s20  }
0xa1: {  	s6 =	ssub.s32 $0x0, s20;
	[sflag:s22] =	ssyncset.done $0x0  }
0xa2: {  	[sflag:s22] =	ssyncadd.s32 s6;
	_ =	sdelay $0x1  }
0xa3: {  	s23 =	simm.s32 $0x1B8B  }
0xa4: {  	_ =	swait.ge [sflag:s23], $0x1  }
0xa5: {  	[sflag:s23] =	ssyncset.done $0x0  }
0xa6: {  	s25 =	simm.s32 $0x1B8E;
	s24 =	sld [smem:$0x3FFE];
	[sflag:s23] =	ssyncadd.s32 $0xFFFFFFFF  }
0xa7: {  	s26 =	simm.s32 $execute0_lowered;
	[smem:$0x3FD2] =	sst s25  }
0xa8: {  	s7 =	sshll.u32 s26, $0x1;
	_ =	strace $0x80000046;
	[dreg:$0x1] =	wrdreg $0xFFFFFFFF  }
0xa9: {  	s28 =	simm.s32 $_size_execute0_lowered;
	s5 =	sadd.s32 s5, s7;
	[dreg:$0x0] =	wrdreg $0x0  }
0xaa: {  	s7 =	sshll.u32 s28, $0x1;
	[dreg:$0x2] =	wrdreg s5  }
0xab: {  	[dreg:$0x3] =	wrdreg s7  }
0xac: {  	[dreg:$0x4] =	wrdreg $0xC0  }
0xad: {  	_ =	task [dreg:s9], $0x5FFFF  }
0xae: {  	[dreg:$0x1] =	wrdreg $0xFFFFFFFF  }
0xaf: {  	[dreg:$0x0] =	wrdreg $0x60  }
0xb0: {  	[dreg:$0x2] =	wrdreg s2  }
0xb1: {  	[dreg:$0x3] =	wrdreg s18  }
0xb2: {  	[dreg:$0x4] =	wrdreg s4  }
0xb3: {  	[dreg:$0x5] =	wrdreg s24  }
0xb4: {  	[dreg:$0x6] =	wrdreg $0xBE000  }
0xb5: {  	[dreg:$0x7] =	wrdreg $0x9  }
0xb6: {  	_ =	task.clear_ibuf [dreg:s9], $0x8FFFF;
	_ =	strace $0x90000046  }
0xb7: {  	s29 =	simm.s32 $0x9;
	_ =	strace $0x80000048  }
0xb8: {  	_ =	swait.ge [sflag:s29], $0x1  }
0xb9: {  	[sflag:s29] =	ssyncadd.s32 $0xFFFFFFFF  }
0xba: {  	_ =	strace $0x90000048  }
0xbb: {  	_ =	sfence  }
0xbc: {  	s30 =	sld [smem:$0x0];
	_ =	sdelay $0x2  }
0xbd: {  	s31 =	sshll.u32 s1, $0xD;
	s1 =	sshrl.u32 s1, $0x2  }
0xbe: {  	s3 =	sand.u32 $0x4000, s31;
	s1 =	sadd.s32 s1, s30  }
0xbf: {  	s0 =	sor.u32 s3, s0;
	s1 =	sshll.u32 s1, $0x11  }
0xc0: {  	s0 =	sor.u32 s1, s0  }
0xc1: {  	s0 =	sadd.s32 $0x8F2B, s0  }
0xc2: {  	[sflag:s0] =	ssyncadd.remote.s32 $0x1  }
0xc3: {  	_ =	sfence.sel $0xFFFF  }
0xc4: {  	[dreg:$0x0] =	wrdreg $0xFFFFFFFF;
	(pc) =	sbr.abs _section_cstart, $3  }
0xc5: {  	[dreg:$0x1] =	wrdreg $0xFFFFFFFF  }
0xc6: {  	_ =	task.clear_ibuf [dreg:s9], $0x2FFFF;
	_ =	strace $0x9FFFFFFF  }
0xc7: {  	(tm) =	ssettm $0x7FFFFFFF  }
tec
execute0_lowered:
.L_overlay_start_1:
0x0: {  	(tag) =	ssettag $0x1  }
0x1: {  	s0 =	rddreg [dreg:$0x0]  }
0x2: {  	s1 =	rddreg [dreg:$0x1]  }
0x3: {  	s2 =	rddreg [dreg:$0x2]  }
0x4: {  	s3 =	srdreg.scid;
	s4 =	rddreg [dreg:$0x3]  }
0x5: {  	s5 =	rddreg [dreg:$0x4];
	s15 =	stileid.u32;
	s6 =	simm.s32 $0x0  }
0x6: {  	s28 =	simm.s32 $0x2;
	s29 =	simm.s32 $0x1;
	s30 =	simm.s32 $0x1000  }
0x7: {  	s31 =	simm.s32 $0x3000;
	s3 =	sand.u32 $0x1, s3;
	[smem:$0x7FF] =	sst s6  }
0x8: {  	s12 =	smul.u32 $0x3C000, s15;
	s8 =	sadd.s32 $0x600, s4;
	s9 =	ssub.s32 $0x2, s3  }
0x9: {  	s4 =	simm.s32 $0x10;
	s7 =	sshll.u32 s3, $0x4;
	s10 =	sshrl.u32 s9, $0x1  }
0xa: {  	_ =	strace $0x80000047;
	s19 =	sshrl.u32 s12, $0x2;
	s10 =	ssub.s32 s9, s10  }
0xb: {  	s14 =	smul.u32 $0xF0000, s3;
	s12 =	sadd.s32 s19, s5;
	s20 =	smax.u32 s10, $0x1  }
0xc: {  	s3 =	simm.s32 $0x5000;
	s21 =	sadd.s32 $0x1E00, s12;
	[dreg:$0x9] =	wrdreg s20  }
0xd: {  	s7 =	sor.u32 s15, s7;
	s22 =	sadd.s32 $0x3C00, s12;
	[dreg:$0xa] =	wrdreg s21  }
0xe: {  	s15 =	smul.u32 $0x50, s15;
	s23 =	sadd.s32 $0x5A00, s12;
	[dreg:$0xb] =	wrdreg s22  }
0xf: {  	s7 =	smul.u32 $0xF424, s7;
	s24 =	sadd.s32 $0x7800, s12;
	[dreg:$0xc] =	wrdreg s23  }
0x10: {  	s9 =	simm.s32 $0x0;
	s25 =	sadd.s32 $0x9600, s12;
	[dreg:$0xd] =	wrdreg s24  }
0x11: {  	s26 =	sadd.s32 $0xB400, s12;
	s11 =	sshrl.u32 s7, $0x3;
	[dreg:$0xe] =	wrdreg s25  }
0x12: {  	s13 =	sadd.s32 $0x2000, s7;
	[dreg:$0xf] =	wrdreg s26;
	s16 =	sadd.s32 s0, s11  }
0x13: {  	s23 =	sadd.s32 $0xD200, s12;
	s17 =	sadd.s32 s1, s11;
	[dreg:$0x6] =	wrdreg s16  }
0x14: {  	s26 =	simm.s32 $0xA000;
	s18 =	sadd.s32 s2, s11;
	[dreg:$0x7] =	wrdreg s17  }
0x15: {  	v0 =	vimm.f32 $0.0e+00;
	v1 =	vimm.f32 $4.194304000e+06;
	s24 =	simm.s32 $0x80;
	s25 =	simm.s32 $0x3;
	[dreg:$0x8] =	wrdreg s18  }
.LBB2_1:
0x16: {  	s10 =	rddreg [dreg:$0x6]  }
0x17: {  	s20 =	rddreg [dreg:$0x7]  }
0x18: {  	[tilespmem:s6], [sflag:$0x1] =	stream.linear.gather [hbm4b:s10+s6], $0x1000, $0x38;
	[tilespmem:$0x1AE00] =	vst v63  }
0x19: {  	s11 =	simm.s32 $0x2000;
	s21 =	rddreg [dreg:$0x8]  }
0x1a: {  	[tilespmem:s11], [sflag:$0x1] =	stream.linear.gather [hbm4b:s20+s6], $0x1000, $0x38;
	[tilespmem:$0x1AE00] =	vst v63  }
0x1b: {  	s22 =	simm.s32 $0x4000;
	s10 =	simm.s32 $0x40;
	s11 =	simm.s32 $0x0  }
0x1c: {  	[tilespmem:s22], [sflag:$0x1] =	stream.linear.gather [hbm4b:s21+s6], $0x1000, $0x38;
	[tilespmem:$0x1AE00] =	vst v63  }
.LBB2_2:
0x1d: {  	p0 =	sne.s32 s10, $0x77C0;
	[tilespmem:s11+$0xA000] =	vst v0;
	s11 =	smov.u32 s10;
	s10 =	sadd.s32 $0x40, s10  }
.Ltmp0:
0x1e: {  	(pc) =	sbr.rel @p0 .LBB2_2-.Ltmp0, $2  }
0x1f: {  	_ =	sdelay $0x2  }
0x20: {  	s11 =	sshra.s32 s11, $0x2  }
0x21: {  	[tilespmem:s11+$0xA000] =	vst v0  }
0x22: {  	[spmem:s12] =	stream.linear.scatter [tilespmem:s26], [sflag:$0x2], $0x1E00, $0x38;
	[tilespmem:$0x1AE00] =	vst v63  }
0x23: {  	s10 =	rddreg [dreg:$0xa]  }
0x24: {  	[spmem:s10] =	stream.linear.scatter [tilespmem:s26], [sflag:$0x2], $0x1E00, $0x38;
	[tilespmem:$0x1AE00] =	vst v63  }
0x25: {  	s18 =	rddreg [dreg:$0xb]  }
0x26: {  	[spmem:s18] =	stream.linear.scatter [tilespmem:s26], [sflag:$0x2], $0x1E00, $0x38;
	[tilespmem:$0x1AE00] =	vst v63  }
0x27: {  	s19 =	rddreg [dreg:$0xc]  }
0x28: {  	[spmem:s19] =	stream.linear.scatter [tilespmem:s26], [sflag:$0x2], $0x1E00, $0x38;
	[tilespmem:$0x1AE00] =	vst v63  }
0x29: {  	s20 =	rddreg [dreg:$0xd]  }
0x2a: {  	[spmem:s20] =	stream.linear.scatter [tilespmem:s26], [sflag:$0x2], $0x1E00, $0x38;
	[tilespmem:$0x1AE00] =	vst v63  }
0x2b: {  	s21 =	rddreg [dreg:$0xe]  }
0x2c: {  	[spmem:s21] =	stream.linear.scatter [tilespmem:s26], [sflag:$0x2], $0x1E00, $0x38;
	[tilespmem:$0x1AE00] =	vst v63  }
0x2d: {  	s22 =	rddreg [dreg:$0xf]  }
0x2e: {  	[spmem:s22] =	stream.linear.scatter [tilespmem:s26], [sflag:$0x2], $0x1E00, $0x38;
	[tilespmem:$0x1AE00] =	vst v63  }
0x2f: {  	_ = 	snop  }
0x30: {  	[spmem:s23] =	stream.linear.scatter [tilespmem:s26], [sflag:$0x2], $0x1E00, $0x38;
	[tilespmem:$0x1AE00] =	vst v63  }
0x31: {  	_ =	swait.ge [sflag:s28], $0x1E00  }
0x32: {  	[sflag:s28] =	ssyncset.done $0x0  }
0x33: {  	[sflag:s28] =	ssyncadd.s32 $0xFFFFE200  }
0x34: {  	_ =	swait.ge [sflag:s28], $0x1E00  }
0x35: {  	[sflag:s28] =	ssyncset.done $0x0  }
0x36: {  	[sflag:s28] =	ssyncadd.s32 $0xFFFFE200  }
0x37: {  	_ =	swait.ge [sflag:s28], $0x1E00  }
0x38: {  	[sflag:s28] =	ssyncset.done $0x0  }
0x39: {  	[sflag:s28] =	ssyncadd.s32 $0xFFFFE200  }
0x3a: {  	_ =	swait.ge [sflag:s28], $0x1E00  }
0x3b: {  	[sflag:s28] =	ssyncset.done $0x0  }
0x3c: {  	[sflag:s28] =	ssyncadd.s32 $0xFFFFE200  }
0x3d: {  	_ =	swait.ge [sflag:s28], $0x1E00  }
0x3e: {  	[sflag:s28] =	ssyncset.done $0x0  }
0x3f: {  	[sflag:s28] =	ssyncadd.s32 $0xFFFFE200  }
0x40: {  	_ =	swait.ge [sflag:s28], $0x1E00  }
0x41: {  	[sflag:s28] =	ssyncset.done $0x0  }
0x42: {  	[sflag:s28] =	ssyncadd.s32 $0xFFFFE200  }
0x43: {  	_ =	swait.ge [sflag:s28], $0x1E00  }
0x44: {  	[sflag:s28] =	ssyncset.done $0x0  }
0x45: {  	[sflag:s28] =	ssyncadd.s32 $0xFFFFE200  }
0x46: {  	_ =	swait.ge [sflag:s28], $0x1E00  }
0x47: {  	[sflag:s28] =	ssyncset.done $0x0  }
0x48: {  	[sflag:s28] =	ssyncadd.s32 $0xFFFFE200  }
0x49: {  	s10 =	simm.s32 $0x0;
	[bflag:$0x0] =	sbarrier.arrive $0xFFFF  }
.LBB2_4:
0x4a: {  	_ =	swait.ge [sflag:s29], $0x1000  }
0x4b: {  	[sflag:s29] =	ssyncset.done $0x0  }
0x4c: {  	[sflag:s29] =	ssyncadd.s32 $0xFFFFF000  }
0x4d: {  	s11 =	sshll.u32 s10, $0xD;
	_ =	swait.ge [sflag:s29], $0x1000  }
0x4e: {  	s16 =	sor.u32 $0x1000, s11;
	[sflag:s29] =	ssyncset.done $0x0  }
0x4f: {  	s16 =	smin.u32 s16, $0xE424;
	[sflag:s29] =	ssyncadd.s32 $0xFFFFF000  }
0x50: {  	s16 =	sadd.s32 s7, s16;
	_ =	swait.ge [sflag:s29], $0x1000  }
0x51: {  	s16 =	sshrl.u32 s16, $0x3;
	[sflag:s29] =	ssyncset.done $0x0  }
0x52: {  	p0 =	seq.s32 s10, $0x0;
	s17 =	sadd.s32 s0, s16;
	[sflag:s29] =	ssyncadd.s32 $0xFFFFF000  }
0x53: {  	[tilespmem:s30], [sflag:$0x1] =	stream.linear.gather [hbm4b:s17+s6], $0x1000, $0x38;
	[tilespmem:$0x1AE00] =	vst v63  }
.Ltmp1:
0x54: {  	_ = 	snop;
	(pc) =	sbr.rel @p0 .LBB2_6-.Ltmp1, $4  }
0x55: {  	s22 =	sadd.s32 s1, s16  }
0x56: {  	[tilespmem:s31], [sflag:$0x1] =	stream.linear.gather [hbm4b:s22+s6], $0x1000, $0x38;
	[tilespmem:$0x1AE00] =	vst v63  }
0x57: {  	s16 =	sadd.s32 s2, s16  }
0x58: {  	[tilespmem:s3], [sflag:$0x1] =	stream.linear.gather [hbm4b:s16+s6], $0x1000, $0x38;
	[tilespmem:$0x1AE00] =	vst v63  }
0x59: {  	_ =	swait.ge [sflag:s28], $0x80  }
0x5a: {  	[sflag:s28] =	ssyncset.done $0x0  }
0x5b: {  	[sflag:s28] =	ssyncadd.s32 $0xFFFFFF80  }
0x5c: {  	_ =	swait.ge [sflag:s28], $0x80  }
0x5d: {  	[sflag:s28] =	ssyncset.done $0x0  }
0x5e: {  	[sflag:s28] =	ssyncadd.s32 $0xFFFFFF80  }
0x5f: {  	_ =	swait.ge [sflag:s28], $0x80  }
0x60: {  	[sflag:s28] =	ssyncset.done $0x0  }
0x61: {  	[sflag:s28] =	ssyncadd.s32 $0xFFFFFF80  }
0x62: {  	_ =	swait.ge [sflag:s28], $0x80  }
0x63: {  	[sflag:s28] =	ssyncset.done $0x0  }
0x64: {  	[sflag:s28] =	ssyncadd.s32 $0xFFFFFF80  }
0x65: {  	_ =	swait.ge [sflag:s28], $0x80  }
0x66: {  	[sflag:s28] =	ssyncset.done $0x0  }
0x67: {  	[sflag:s28] =	ssyncadd.s32 $0xFFFFFF80  }
0x68: {  	_ =	swait.ge [sflag:s28], $0x80  }
0x69: {  	[sflag:s28] =	ssyncset.done $0x0  }
0x6a: {  	[sflag:s28] =	ssyncadd.s32 $0xFFFFFF80  }
0x6b: {  	_ =	swait.ge [sflag:s28], $0x80  }
0x6c: {  	[sflag:s28] =	ssyncset.done $0x0  }
0x6d: {  	[sflag:s28] =	ssyncadd.s32 $0xFFFFFF80  }
0x6e: {  	_ =	swait.ge [sflag:s28], $0x80  }
0x6f: {  	[sflag:s28] =	ssyncset.done $0x0  }
0x70: {  	[sflag:s28] =	ssyncadd.s32 $0xFFFFFF80  }
0x71: {  	_ =	swait.ge [sflag:s28], $0x80  }
0x72: {  	[sflag:s28] =	ssyncset.done $0x0  }
0x73: {  	[sflag:s28] =	ssyncadd.s32 $0xFFFFFF80  }
0x74: {  	_ =	swait.ge [sflag:s28], $0x80  }
0x75: {  	[sflag:s28] =	ssyncset.done $0x0  }
0x76: {  	[sflag:s28] =	ssyncadd.s32 $0xFFFFFF80  }
0x77: {  	_ =	swait.ge [sflag:s28], $0x80  }
0x78: {  	[sflag:s28] =	ssyncset.done $0x0  }
0x79: {  	[sflag:s28] =	ssyncadd.s32 $0xFFFFFF80  }
0x7a: {  	_ =	swait.ge [sflag:s28], $0x80  }
0x7b: {  	[sflag:s28] =	ssyncset.done $0x0  }
0x7c: {  	[sflag:s28] =	ssyncadd.s32 $0xFFFFFF80  }
0x7d: {  	_ =	swait.ge [sflag:s28], $0x80  }
0x7e: {  	[sflag:s28] =	ssyncset.done $0x0  }
0x7f: {  	[sflag:s28] =	ssyncadd.s32 $0xFFFFFF80  }
0x80: {  	_ =	swait.ge [sflag:s28], $0x80  }
0x81: {  	[sflag:s28] =	ssyncset.done $0x0  }
0x82: {  	[sflag:s28] =	ssyncadd.s32 $0xFFFFFF80  }
0x83: {  	_ =	swait.ge [sflag:s28], $0x80  }
0x84: {  	[sflag:s28] =	ssyncset.done $0x0  }
0x85: {  	[sflag:s28] =	ssyncadd.s32 $0xFFFFFF80  }
0x86: {  	_ =	swait.ge [sflag:s28], $0x80  }
0x87: {  	[sflag:s28] =	ssyncset.done $0x0  }
0x88: {  	[sflag:s28] =	ssyncadd.s32 $0xFFFFFF80  }
0x89: {  	_ =	swait.ge [sflag:s28], $0x80  }
0x8a: {  	[sflag:s28] =	ssyncset.done $0x0  }
0x8b: {  	[sflag:s28] =	ssyncadd.s32 $0xFFFFFF80  }
0x8c: {  	_ =	swait.ge [sflag:s28], $0x80  }
0x8d: {  	[sflag:s28] =	ssyncset.done $0x0  }
0x8e: {  	[sflag:s28] =	ssyncadd.s32 $0xFFFFFF80  }
0x8f: {  	_ =	swait.ge [sflag:s28], $0x80  }
0x90: {  	[sflag:s28] =	ssyncset.done $0x0  }
0x91: {  	[sflag:s28] =	ssyncadd.s32 $0xFFFFFF80  }
0x92: {  	_ =	swait.ge [sflag:s28], $0x80  }
0x93: {  	[sflag:s28] =	ssyncset.done $0x0  }
0x94: {  	[sflag:s28] =	ssyncadd.s32 $0xFFFFFF80  }
0x95: {  	_ =	swait.ge [sflag:s28], $0x80  }
0x96: {  	[sflag:s28] =	ssyncset.done $0x0  }
0x97: {  	[sflag:s28] =	ssyncadd.s32 $0xFFFFFF80  }
0x98: {  	_ =	swait.ge [sflag:s28], $0x80  }
0x99: {  	[sflag:s28] =	ssyncset.done $0x0  }
0x9a: {  	[sflag:s28] =	ssyncadd.s32 $0xFFFFFF80  }
0x9b: {  	_ =	swait.ge [sflag:s28], $0x80  }
0x9c: {  	[sflag:s28] =	ssyncset.done $0x0  }
0x9d: {  	[sflag:s28] =	ssyncadd.s32 $0xFFFFFF80  }
0x9e: {  	_ =	swait.ge [sflag:s28], $0x80  }
0x9f: {  	[sflag:s28] =	ssyncset.done $0x0  }
0xa0: {  	[sflag:s28] =	ssyncadd.s32 $0xFFFFFF80  }
0xa1: {  	_ =	swait.ge [sflag:s28], $0x80  }
0xa2: {  	[sflag:s28] =	ssyncset.done $0x0  }
0xa3: {  	[sflag:s28] =	ssyncadd.s32 $0xFFFFFF80  }
0xa4: {  	_ =	swait.ge [sflag:s28], $0x80  }
0xa5: {  	[sflag:s28] =	ssyncset.done $0x0  }
0xa6: {  	[sflag:s28] =	ssyncadd.s32 $0xFFFFFF80  }
0xa7: {  	_ =	swait.ge [sflag:s28], $0x80  }
0xa8: {  	[sflag:s28] =	ssyncset.done $0x0  }
0xa9: {  	[sflag:s28] =	ssyncadd.s32 $0xFFFFFF80  }
0xaa: {  	_ =	swait.ge [sflag:s28], $0x80  }
0xab: {  	[sflag:s28] =	ssyncset.done $0x0  }
0xac: {  	[sflag:s28] =	ssyncadd.s32 $0xFFFFFF80  }
0xad: {  	_ =	swait.ge [sflag:s28], $0x80  }
0xae: {  	[sflag:s28] =	ssyncset.done $0x0  }
0xaf: {  	[sflag:s28] =	ssyncadd.s32 $0xFFFFFF80  }
0xb0: {  	_ =	swait.ge [sflag:s28], $0x80  }
0xb1: {  	[sflag:s28] =	ssyncset.done $0x0  }
0xb2: {  	[sflag:s28] =	ssyncadd.s32 $0xFFFFFF80  }
0xb3: {  	_ =	swait.ge [sflag:s28], $0x80  }
0xb4: {  	[sflag:s28] =	ssyncset.done $0x0  }
0xb5: {  	[sflag:s28] =	ssyncadd.s32 $0xFFFFFF80  }
0xb6: {  	_ =	swait.ge [sflag:s28], $0x80  }
0xb7: {  	[sflag:s28] =	ssyncset.done $0x0  }
0xb8: {  	[sflag:s28] =	ssyncadd.s32 $0xFFFFFF80  }
.LBB2_6:
0xb9: {  	s16 =	simm.s32 $0x0  }
0xba: {  	v5 =	vld [tilespmem:s16+$0x2000]  }
0xbb: {  	v6 =	vld [tilespmem:s16+$0x2010]  }
0xbc: {  	v7 =	vld [tilespmem:s16+$0x2020]  }
0xbd: {  	v10 =	vld [tilespmem:s16+$0x2030]  }
0xbe: {  	v8 =	vld [tilespmem:s16+$0x0]  }
0xbf: {  	v4 =	vld [tilespmem:s16+$0x2040]  }
0xc0: {  	v3 =	vld [tilespmem:s16+$0x2050]  }
0xc1: {  	v11 =	vld [tilespmem:s16+$0x10]  }
0xc2: {  	v9 =	vld [tilespmem:s16+$0x4000]  }
0xc3: {  	v12 =	vld [tilespmem:s16+$0x4010];
	v8 =	vmul.u32 $0x300, v8  }
0xc4: {  	v13 =	vld [tilespmem:s16+$0x20]  }
0xc5: {  	v2 =	vld [tilespmem:s16+$0x2060];
	v5 =	vadd.s32 v5, v8  }
0xc6: {  	v14 =	vld [tilespmem:s16+$0x4020];
	[tilespmem:s16+$0x6000] =	vst v5;
	v5 =	vmul.u32 $0x300, v11  }
0xc7: {  	v15 =	vld [tilespmem:s16+$0x30]  }
0xc8: {  	v16 =	vld [tilespmem:s16+$0x4030];
	vm0 =	veq.s32 v9, $0x0;
	v6 =	vadd.s32 v6, v5  }
0xc9: {  	vm13 =	veq.s32 v12, $0x0;
	v8 =	vsel vm0, $0x3F800000, v1;
	v11 =	vld [tilespmem:s16+$0x40];
	[tilespmem:s16+$0x6010] =	vst v6;
	v6 =	vmul.u32 $0x300, v13  }
0xca: {  	v9 =	vsel vm13, $0x3F800000, v1;
	[tilespmem:s16+$0x7000] =	vst v8;
	v8 =	vld [tilespmem:s16+$0x50]  }
0xcb: {  	[tilespmem:s16+$0x7010] =	vst v9;
	v5 =	vld [tilespmem:s16+$0x4040];
	v7 =	vadd.s32 v7, v6  }
0xcc: {  	vm14 =	veq.s32 v14, $0x0;
	v9 =	vld [tilespmem:s16+$0x60];
	[tilespmem:s16+$0x6020] =	vst v7;
	v7 =	vmul.u32 $0x300, v15  }
0xcd: {  	v12 =	vsel vm14, $0x3F800000, v1;
	v6 =	vld [tilespmem:s16+$0x4050]  }
0xce: {  	vm15 =	veq.s32 v16, $0x0;
	[tilespmem:s16+$0x7020] =	vst v12;
	v11 =	vmul.u32 $0x300, v11;
	v10 =	vadd.s32 v10, v7;
	v7 =	vld [tilespmem:s16+$0x4060]  }
0xcf: {  	s17 =	simm.s32 $0x200;
	v12 =	vsel vm15, $0x3F800000, v1;
	[tilespmem:s16+$0x6030] =	vst v10;
	v10 =	vld [tilespmem:s16+$0x70]  }
.LBB2_7:
0xd0: {  	p0 =	sne.s32 s17, $0x3E00;
	[tilespmem:s16+$0x7030] =	vst v12;
	v4 =	vadd.s32 v4, v11;
	vm0 =	veq.s32 v5, $0x0;
	v5 =	vmul.u32 $0x300, v8;
	v8 =	vld [tilespmem:s16+$0x2070]  }
0xd1: {  	v11 =	vsel vm0, $0x3F800000, v1;
	[tilespmem:s16+$0x6040] =	vst v4;
	v4 =	vld [tilespmem:s16+$0x4070]  }
0xd2: {  	vm0 =	veq.s32 v6, $0x0;
	[tilespmem:s16+$0x7040] =	vst v11;
	v3 =	vadd.s32 v3, v5;
	v5 =	vmul.u32 $0x300, v9  }
0xd3: {  	v6 =	vsel vm0, $0x3F800000, v1;
	[tilespmem:s16+$0x6050] =	vst v3  }
0xd4: {  	vm0 =	veq.s32 v7, $0x0;
	[tilespmem:s16+$0x7050] =	vst v6;
	v2 =	vadd.s32 v2, v5;
	v3 =	vmul.u32 $0x300, v10  }
0xd5: {  	v5 =	vsel vm0, $0x3F800000, v1;
	[tilespmem:s16+$0x6060] =	vst v2  }
0xd6: {  	[tilespmem:s16+$0x7060] =	vst v5;
	v2 =	vadd.s32 v8, v3;
	vm0 =	veq.s32 v4, $0x0  }
0xd7: {  	s18 =	sshra.s32 s17, $0x2;
	s19 =	sadd.s32 $0x6000, s16;
	s20 =	sadd.s32 $0x7000, s16;
	v3 =	vsel vm0, $0x3F800000, v1;
	[tilespmem:s16+$0x6070] =	vst v2  }
0xd8: {  	[tilespmem:s16+$0x7070] =	vst v3;
	[spmem:s5] =	stream.indirect.scatter.add.f32 [tilespmem:s20], [sflag:$0x2], $0x1, s19, s24, $0xb8  }
0xd9: {  	s16 =	smov.u32 s18;
	v5 =	vld [tilespmem:s18+$0x2000]  }
0xda: {  	v6 =	vld [tilespmem:s16+$0x2010]  }
0xdb: {  	v7 =	vld [tilespmem:s16+$0x2020]  }
0xdc: {  	v10 =	vld [tilespmem:s16+$0x2030]  }
0xdd: {  	v4 =	vld [tilespmem:s16+$0x2040]  }
0xde: {  	v3 =	vld [tilespmem:s16+$0x2050]  }
0xdf: {  	v2 =	vld [tilespmem:s16+$0x2060]  }
0xe0: {  	v8 =	vld [tilespmem:s16+$0x0]  }
0xe1: {  	v9 =	vld [tilespmem:s16+$0x4000]  }
0xe2: {  	v11 =	vld [tilespmem:s16+$0x10]  }
0xe3: {  	v12 =	vld [tilespmem:s16+$0x4010]  }
0xe4: {  	v13 =	vld [tilespmem:s16+$0x20]  }
0xe5: {  	v8 =	vmul.u32 $0x300, v8;
	v14 =	vld [tilespmem:s16+$0x4020]  }
0xe6: {  	v15 =	vld [tilespmem:s16+$0x30]  }
0xe7: {  	vm0 =	veq.s32 v9, $0x0;
	v5 =	vadd.s32 v5, v8;
	v8 =	vmul.u32 $0x300, v11;
	v11 =	vld [tilespmem:s16+$0x4030]  }
0xe8: {  	v9 =	vsel vm0, $0x3F800000, v1;
	[tilespmem:s16+$0x6000] =	vst v5;
	v16 =	vld [tilespmem:s16+$0x40]  }
0xe9: {  	vm0 =	veq.s32 v12, $0x0;
	[tilespmem:s16+$0x7000] =	vst v9;
	v6 =	vadd.s32 v6, v8;
	v9 =	vmul.u32 $0x300, v13;
	v5 =	vld [tilespmem:s16+$0x4040]  }
.Ltmp2:
0xea: {  	v12 =	vsel vm0, $0x3F800000, v1;
	[tilespmem:s16+$0x6010] =	vst v6;
	v8 =	vld [tilespmem:s16+$0x50];
	(pc) =	sbr.rel @p0 .LBB2_7-.Ltmp2, $4  }
0xeb: {  	vm0 =	veq.s32 v14, $0x0;
	[tilespmem:s16+$0x7010] =	vst v12;
	v7 =	vadd.s32 v7, v9;
	v12 =	vmul.u32 $0x300, v15;
	v6 =	vld [tilespmem:s16+$0x4050]  }
0xec: {  	v13 =	vsel vm0, $0x3F800000, v1;
	[tilespmem:s16+$0x6020] =	vst v7;
	v9 =	vld [tilespmem:s16+$0x60]  }
0xed: {  	vm0 =	veq.s32 v11, $0x0;
	[tilespmem:s16+$0x7020] =	vst v13;
	v10 =	vadd.s32 v10, v12;
	v11 =	vmul.u32 $0x300, v16;
	v7 =	vld [tilespmem:s16+$0x4060]  }
0xee: {  	s17 =	sadd.s32 $0x200, s17;
	v12 =	vsel vm0, $0x3F800000, v1;
	[tilespmem:s16+$0x6030] =	vst v10;
	v10 =	vld [tilespmem:s16+$0x70]  }
0xef: {  	[tilespmem:s16+$0x7030] =	vst v12;
	v4 =	vadd.s32 v4, v11;
	v57 =	vld [tilespmem:s16+$0x2070];
	vm0 =	veq.s32 v5, $0x0;
	v58 =	vmul.u32 $0x300, v8  }
0xf0: {  	v60 =	vld [tilespmem:s16+$0x4070];
	[tilespmem:s16+$0x6040] =	vst v4;
	v59 =	vsel vm0, $0x3F800000, v1  }
0xf1: {  	vm13 =	veq.s32 v6, $0x0;
	[tilespmem:s16+$0x7040] =	vst v59;
	v3 =	vadd.s32 v3, v58;
	v61 =	vmul.u32 $0x300, v9  }
0xf2: {  	v62 =	vsel vm13, $0x3F800000, v1;
	[tilespmem:s16+$0x6050] =	vst v3  }
0xf3: {  	[tilespmem:s16+$0x7050] =	vst v62;
	vm14 =	veq.s32 v7, $0x0;
	v2 =	vadd.s32 v2, v61;
	v3 =	vmul.u32 $0x300, v10  }
0xf4: {  	v63 =	vsel vm14, $0x3F800000, v1;
	[tilespmem:s16+$0x6060] =	vst v2  }
0xf5: {  	[tilespmem:s16+$0x7060] =	vst v63;
	vm15 =	veq.s32 v60, $0x0;
	v2 =	vadd.s32 v57, v3  }
0xf6: {  	v3 =	vsel vm15, $0x3F800000, v1;
	[tilespmem:s16+$0x6070] =	vst v2  }
0xf7: {  	s17 =	sadd.s32 $0x6000, s16;
	s18 =	sadd.s32 $0x7000, s16;
	[tilespmem:s16+$0x7070] =	vst v3  }
0xf8: {  	[spmem:s5] =	stream.indirect.scatter.add.f32 [tilespmem:s18], [sflag:$0x2], $0x1, s17, s24, $0xb8;
	[tilespmem:$0x1AE00] =	vst v63  }
0xf9: {  	_ =	swait.ge [sflag:s29], $0x1000  }
0xfa: {  	[sflag:s29] =	ssyncset.done $0x0  }
0xfb: {  	[sflag:s29] =	ssyncadd.s32 $0xFFFFF000  }
0xfc: {  	_ =	swait.ge [sflag:s29], $0x1000  }
0xfd: {  	p0 =	seq.s32 s10, $0x7;
	[sflag:s29] =	ssyncset.done $0x0  }
0xfe: {  	s11 =	smin.u32 @!p0 s11, $0xC424;
	[sflag:s29] =	ssyncadd.s32 $0xFFFFF000  }
0xff: {  	s11 =	sadd.s32 @!p0 s11, s13;
	_ =	swait.ge [sflag:s29], $0x1000  }
0x100: {  	s11 =	sshrl.u32 @!p0 s11, $0x3;
	[sflag:s29] =	ssyncset.done $0x0  }
0x101: {  	s16 =	sadd.s32 @!p0 s0, s11;
	s17 =	simm.s32 @!p0 $0x0;
	[sflag:s29] =	ssyncadd.s32 $0xFFFFF000  }
0x102: {  	[tilespmem:s17], [sflag:$0x1] =	stream.linear.gather @!p0 [hbm4b:s16+s17], $0x1000, $0x38;
	[tilespmem:$0x1AE00] =	vst v63  }
0x103: {  	s18 =	simm.s32 @!p0 $0x2000;
	s16 =	sadd.s32 @!p0 s1, s11  }
0x104: {  	[tilespmem:s18], [sflag:$0x1] =	stream.linear.gather @!p0 [hbm4b:s16+s17], $0x1000, $0x38;
	[tilespmem:$0x1AE00] =	vst v63  }
0x105: {  	p1 =	seq.s32 @!p0 s10, $0x0;
	s11 =	sadd.s32 @!p0 s2, s11;
	s16 =	simm.s32 @!p0 $0x4000  }
0x106: {  	[tilespmem:s16], [sflag:$0x1] =	stream.linear.gather @!p0 [hbm4b:s11+s17], $0x1000, $0x38;
	[tilespmem:$0x1AE00] =	vst v63  }
0x107: {  	p0 =	por p0, !p1  }
.Ltmp3:
0x108: {  	_ = 	snop;
	(pc) =	sbr.rel @!p0 .LBB2_10-.Ltmp3, $1  }
0x109: {  	_ =	sdelay $0x3  }
0x10a: {  	_ =	swait.ge [sflag:s25], $0x80  }
0x10b: {  	[sflag:s25] =	ssyncset.done $0x0  }
0x10c: {  	[sflag:s25] =	ssyncadd.s32 $0xFFFFFF80  }
0x10d: {  	_ =	swait.ge [sflag:s25], $0x80  }
0x10e: {  	[sflag:s25] =	ssyncset.done $0x0  }
0x10f: {  	[sflag:s25] =	ssyncadd.s32 $0xFFFFFF80  }
0x110: {  	_ =	swait.ge [sflag:s25], $0x80  }
0x111: {  	[sflag:s25] =	ssyncset.done $0x0  }
0x112: {  	[sflag:s25] =	ssyncadd.s32 $0xFFFFFF80  }
0x113: {  	_ =	swait.ge [sflag:s25], $0x80  }
0x114: {  	[sflag:s25] =	ssyncset.done $0x0  }
0x115: {  	[sflag:s25] =	ssyncadd.s32 $0xFFFFFF80  }
0x116: {  	_ =	swait.ge [sflag:s25], $0x80  }
0x117: {  	[sflag:s25] =	ssyncset.done $0x0  }
0x118: {  	[sflag:s25] =	ssyncadd.s32 $0xFFFFFF80  }
0x119: {  	_ =	swait.ge [sflag:s25], $0x80  }
0x11a: {  	[sflag:s25] =	ssyncset.done $0x0  }
0x11b: {  	[sflag:s25] =	ssyncadd.s32 $0xFFFFFF80  }
0x11c: {  	_ =	swait.ge [sflag:s25], $0x80  }
0x11d: {  	[sflag:s25] =	ssyncset.done $0x0  }
0x11e: {  	[sflag:s25] =	ssyncadd.s32 $0xFFFFFF80  }
0x11f: {  	_ =	swait.ge [sflag:s25], $0x80  }
0x120: {  	[sflag:s25] =	ssyncset.done $0x0  }
0x121: {  	[sflag:s25] =	ssyncadd.s32 $0xFFFFFF80  }
0x122: {  	_ =	swait.ge [sflag:s25], $0x80  }
0x123: {  	[sflag:s25] =	ssyncset.done $0x0  }
0x124: {  	[sflag:s25] =	ssyncadd.s32 $0xFFFFFF80  }
0x125: {  	_ =	swait.ge [sflag:s25], $0x80  }
0x126: {  	[sflag:s25] =	ssyncset.done $0x0  }
0x127: {  	[sflag:s25] =	ssyncadd.s32 $0xFFFFFF80  }
0x128: {  	_ =	swait.ge [sflag:s25], $0x80  }
0x129: {  	[sflag:s25] =	ssyncset.done $0x0  }
0x12a: {  	[sflag:s25] =	ssyncadd.s32 $0xFFFFFF80  }
0x12b: {  	_ =	swait.ge [sflag:s25], $0x80  }
0x12c: {  	[sflag:s25] =	ssyncset.done $0x0  }
0x12d: {  	[sflag:s25] =	ssyncadd.s32 $0xFFFFFF80  }
0x12e: {  	_ =	swait.ge [sflag:s25], $0x80  }
0x12f: {  	[sflag:s25] =	ssyncset.done $0x0  }
0x130: {  	[sflag:s25] =	ssyncadd.s32 $0xFFFFFF80  }
0x131: {  	_ =	swait.ge [sflag:s25], $0x80  }
0x132: {  	[sflag:s25] =	ssyncset.done $0x0  }
0x133: {  	[sflag:s25] =	ssyncadd.s32 $0xFFFFFF80  }
0x134: {  	_ =	swait.ge [sflag:s25], $0x80  }
0x135: {  	[sflag:s25] =	ssyncset.done $0x0  }
0x136: {  	[sflag:s25] =	ssyncadd.s32 $0xFFFFFF80  }
0x137: {  	_ =	swait.ge [sflag:s25], $0x80  }
0x138: {  	[sflag:s25] =	ssyncset.done $0x0  }
0x139: {  	[sflag:s25] =	ssyncadd.s32 $0xFFFFFF80  }
0x13a: {  	_ =	swait.ge [sflag:s25], $0x80  }
0x13b: {  	[sflag:s25] =	ssyncset.done $0x0  }
0x13c: {  	[sflag:s25] =	ssyncadd.s32 $0xFFFFFF80  }
0x13d: {  	_ =	swait.ge [sflag:s25], $0x80  }
0x13e: {  	[sflag:s25] =	ssyncset.done $0x0  }
0x13f: {  	[sflag:s25] =	ssyncadd.s32 $0xFFFFFF80  }
0x140: {  	_ =	swait.ge [sflag:s25], $0x80  }
0x141: {  	[sflag:s25] =	ssyncset.done $0x0  }
0x142: {  	[sflag:s25] =	ssyncadd.s32 $0xFFFFFF80  }
0x143: {  	_ =	swait.ge [sflag:s25], $0x80  }
0x144: {  	[sflag:s25] =	ssyncset.done $0x0  }
0x145: {  	[sflag:s25] =	ssyncadd.s32 $0xFFFFFF80  }
0x146: {  	_ =	swait.ge [sflag:s25], $0x80  }
0x147: {  	[sflag:s25] =	ssyncset.done $0x0  }
0x148: {  	[sflag:s25] =	ssyncadd.s32 $0xFFFFFF80  }
0x149: {  	_ =	swait.ge [sflag:s25], $0x80  }
0x14a: {  	[sflag:s25] =	ssyncset.done $0x0  }
0x14b: {  	[sflag:s25] =	ssyncadd.s32 $0xFFFFFF80  }
0x14c: {  	_ =	swait.ge [sflag:s25], $0x80  }
0x14d: {  	[sflag:s25] =	ssyncset.done $0x0  }
0x14e: {  	[sflag:s25] =	ssyncadd.s32 $0xFFFFFF80  }
0x14f: {  	_ =	swait.ge [sflag:s25], $0x80  }
0x150: {  	[sflag:s25] =	ssyncset.done $0x0  }
0x151: {  	[sflag:s25] =	ssyncadd.s32 $0xFFFFFF80  }
0x152: {  	_ =	swait.ge [sflag:s25], $0x80  }
0x153: {  	[sflag:s25] =	ssyncset.done $0x0  }
0x154: {  	[sflag:s25] =	ssyncadd.s32 $0xFFFFFF80  }
0x155: {  	_ =	swait.ge [sflag:s25], $0x80  }
0x156: {  	[sflag:s25] =	ssyncset.done $0x0  }
0x157: {  	[sflag:s25] =	ssyncadd.s32 $0xFFFFFF80  }
0x158: {  	_ =	swait.ge [sflag:s25], $0x80  }
0x159: {  	[sflag:s25] =	ssyncset.done $0x0  }
0x15a: {  	[sflag:s25] =	ssyncadd.s32 $0xFFFFFF80  }
0x15b: {  	_ =	swait.ge [sflag:s25], $0x80  }
0x15c: {  	[sflag:s25] =	ssyncset.done $0x0  }
0x15d: {  	[sflag:s25] =	ssyncadd.s32 $0xFFFFFF80  }
0x15e: {  	_ =	swait.ge [sflag:s25], $0x80  }
0x15f: {  	[sflag:s25] =	ssyncset.done $0x0  }
0x160: {  	[sflag:s25] =	ssyncadd.s32 $0xFFFFFF80  }
0x161: {  	_ =	swait.ge [sflag:s25], $0x80  }
0x162: {  	[sflag:s25] =	ssyncset.done $0x0  }
0x163: {  	[sflag:s25] =	ssyncadd.s32 $0xFFFFFF80  }
0x164: {  	_ =	swait.ge [sflag:s25], $0x80  }
0x165: {  	[sflag:s25] =	ssyncset.done $0x0  }
0x166: {  	[sflag:s25] =	ssyncadd.s32 $0xFFFFFF80  }
0x167: {  	_ =	swait.ge [sflag:s25], $0x80  }
0x168: {  	[sflag:s25] =	ssyncset.done $0x0  }
0x169: {  	[sflag:s25] =	ssyncadd.s32 $0xFFFFFF80  }
.LBB2_10:
0x16a: {  	s11 =	simm.s32 $0x0  }
0x16b: {  	v5 =	vld [tilespmem:s11+$0x3000]  }
0x16c: {  	v6 =	vld [tilespmem:s11+$0x3010]  }
0x16d: {  	v7 =	vld [tilespmem:s11+$0x3020]  }
0x16e: {  	v10 =	vld [tilespmem:s11+$0x3030]  }
0x16f: {  	v8 =	vld [tilespmem:s11+$0x1000]  }
0x170: {  	v4 =	vld [tilespmem:s11+$0x3040]  }
0x171: {  	v3 =	vld [tilespmem:s11+$0x3050]  }
0x172: {  	v11 =	vld [tilespmem:s11+$0x1010]  }
0x173: {  	v9 =	vld [tilespmem:s11+$0x5000]  }
0x174: {  	v12 =	vld [tilespmem:s11+$0x5010];
	v8 =	vmul.u32 $0x300, v8  }
0x175: {  	v13 =	vld [tilespmem:s11+$0x1020]  }
0x176: {  	v2 =	vld [tilespmem:s11+$0x3060];
	v5 =	vadd.s32 v5, v8  }
0x177: {  	v14 =	vld [tilespmem:s11+$0x5020];
	[tilespmem:s11+$0x8000] =	vst v5;
	v5 =	vmul.u32 $0x300, v11  }
0x178: {  	v15 =	vld [tilespmem:s11+$0x1030]  }
0x179: {  	v16 =	vld [tilespmem:s11+$0x5030];
	vm0 =	veq.s32 v9, $0x0;
	v6 =	vadd.s32 v6, v5  }
0x17a: {  	vm13 =	veq.s32 v12, $0x0;
	v8 =	vsel vm0, $0x3F800000, v1;
	v11 =	vld [tilespmem:s11+$0x1040];
	[tilespmem:s11+$0x8010] =	vst v6;
	v6 =	vmul.u32 $0x300, v13  }
0x17b: {  	v9 =	vsel vm13, $0x3F800000, v1;
	[tilespmem:s11+$0x9000] =	vst v8;
	v8 =	vld [tilespmem:s11+$0x1050]  }
0x17c: {  	[tilespmem:s11+$0x9010] =	vst v9;
	v5 =	vld [tilespmem:s11+$0x5040];
	v7 =	vadd.s32 v7, v6  }
0x17d: {  	vm14 =	veq.s32 v14, $0x0;
	v9 =	vld [tilespmem:s11+$0x1060];
	[tilespmem:s11+$0x8020] =	vst v7;
	v7 =	vmul.u32 $0x300, v15  }
0x17e: {  	v12 =	vsel vm14, $0x3F800000, v1;
	v6 =	vld [tilespmem:s11+$0x5050]  }
0x17f: {  	vm15 =	veq.s32 v16, $0x0;
	[tilespmem:s11+$0x9020] =	vst v12;
	v11 =	vmul.u32 $0x300, v11;
	v10 =	vadd.s32 v10, v7;
	v7 =	vld [tilespmem:s11+$0x5060]  }
0x180: {  	s16 =	simm.s32 $0x200;
	v12 =	vsel vm15, $0x3F800000, v1;
	[tilespmem:s11+$0x8030] =	vst v10;
	v10 =	vld [tilespmem:s11+$0x1070]  }
.LBB2_11:
0x181: {  	p0 =	sne.s32 s16, $0x3E00;
	[tilespmem:s11+$0x9030] =	vst v12;
	v4 =	vadd.s32 v4, v11;
	vm0 =	veq.s32 v5, $0x0;
	v5 =	vmul.u32 $0x300, v8;
	v8 =	vld [tilespmem:s11+$0x3070]  }
0x182: {  	v11 =	vsel vm0, $0x3F800000, v1;
	[tilespmem:s11+$0x8040] =	vst v4;
	v4 =	vld [tilespmem:s11+$0x5070]  }
0x183: {  	vm0 =	veq.s32 v6, $0x0;
	[tilespmem:s11+$0x9040] =	vst v11;
	v3 =	vadd.s32 v3, v5;
	v5 =	vmul.u32 $0x300, v9  }
0x184: {  	v6 =	vsel vm0, $0x3F800000, v1;
	[tilespmem:s11+$0x8050] =	vst v3  }
0x185: {  	vm0 =	veq.s32 v7, $0x0;
	[tilespmem:s11+$0x9050] =	vst v6;
	v2 =	vadd.s32 v2, v5;
	v3 =	vmul.u32 $0x300, v10  }
0x186: {  	v5 =	vsel vm0, $0x3F800000, v1;
	[tilespmem:s11+$0x8060] =	vst v2  }
0x187: {  	[tilespmem:s11+$0x9060] =	vst v5;
	v2 =	vadd.s32 v8, v3;
	vm0 =	veq.s32 v4, $0x0  }
0x188: {  	s17 =	sshra.s32 s16, $0x2;
	s18 =	sadd.s32 $0x8000, s11;
	s19 =	sadd.s32 $0x9000, s11;
	v3 =	vsel vm0, $0x3F800000, v1;
	[tilespmem:s11+$0x8070] =	vst v2  }
0x189: {  	[tilespmem:s11+$0x9070] =	vst v3;
	[spmem:s5] =	stream.indirect.scatter.add.f32 [tilespmem:s19], [sflag:$0x3], $0x1, s18, s24, $0xb8  }
0x18a: {  	s11 =	smov.u32 s17;
	v5 =	vld [tilespmem:s17+$0x3000]  }
0x18b: {  	v6 =	vld [tilespmem:s11+$0x3010]  }
0x18c: {  	v7 =	vld [tilespmem:s11+$0x3020]  }
0x18d: {  	v10 =	vld [tilespmem:s11+$0x3030]  }
0x18e: {  	v4 =	vld [tilespmem:s11+$0x3040]  }
0x18f: {  	v3 =	vld [tilespmem:s11+$0x3050]  }
0x190: {  	v2 =	vld [tilespmem:s11+$0x3060]  }
0x191: {  	v8 =	vld [tilespmem:s11+$0x1000]  }
0x192: {  	v9 =	vld [tilespmem:s11+$0x5000]  }
0x193: {  	v11 =	vld [tilespmem:s11+$0x1010]  }
0x194: {  	v12 =	vld [tilespmem:s11+$0x5010]  }
0x195: {  	v13 =	vld [tilespmem:s11+$0x1020]  }
0x196: {  	v8 =	vmul.u32 $0x300, v8;
	v14 =	vld [tilespmem:s11+$0x5020]  }
0x197: {  	v15 =	vld [tilespmem:s11+$0x1030]  }
0x198: {  	vm0 =	veq.s32 v9, $0x0;
	v5 =	vadd.s32 v5, v8;
	v8 =	vmul.u32 $0x300, v11;
	v11 =	vld [tilespmem:s11+$0x5030]  }
0x199: {  	v9 =	vsel vm0, $0x3F800000, v1;
	[tilespmem:s11+$0x8000] =	vst v5;
	v16 =	vld [tilespmem:s11+$0x1040]  }
0x19a: {  	vm0 =	veq.s32 v12, $0x0;
	[tilespmem:s11+$0x9000] =	vst v9;
	v6 =	vadd.s32 v6, v8;
	v9 =	vmul.u32 $0x300, v13;
	v5 =	vld [tilespmem:s11+$0x5040]  }
.Ltmp4:
0x19b: {  	v12 =	vsel vm0, $0x3F800000, v1;
	[tilespmem:s11+$0x8010] =	vst v6;
	v8 =	vld [tilespmem:s11+$0x1050];
	(pc) =	sbr.rel @p0 .LBB2_11-.Ltmp4, $4  }
0x19c: {  	vm0 =	veq.s32 v14, $0x0;
	[tilespmem:s11+$0x9010] =	vst v12;
	v7 =	vadd.s32 v7, v9;
	v12 =	vmul.u32 $0x300, v15;
	v6 =	vld [tilespmem:s11+$0x5050]  }
0x19d: {  	v13 =	vsel vm0, $0x3F800000, v1;
	[tilespmem:s11+$0x8020] =	vst v7;
	v9 =	vld [tilespmem:s11+$0x1060]  }
0x19e: {  	vm0 =	veq.s32 v11, $0x0;
	[tilespmem:s11+$0x9020] =	vst v13;
	v10 =	vadd.s32 v10, v12;
	v11 =	vmul.u32 $0x300, v16;
	v7 =	vld [tilespmem:s11+$0x5060]  }
0x19f: {  	s16 =	sadd.s32 $0x200, s16;
	v12 =	vsel vm0, $0x3F800000, v1;
	[tilespmem:s11+$0x8030] =	vst v10;
	v10 =	vld [tilespmem:s11+$0x1070]  }
0x1a0: {  	[tilespmem:s11+$0x9030] =	vst v12;
	v4 =	vadd.s32 v4, v11;
	v57 =	vld [tilespmem:s11+$0x3070];
	vm0 =	veq.s32 v5, $0x0;
	v58 =	vmul.u32 $0x300, v8  }
0x1a1: {  	v60 =	vld [tilespmem:s11+$0x5070];
	[tilespmem:s11+$0x8040] =	vst v4;
	v59 =	vsel vm0, $0x3F800000, v1  }
0x1a2: {  	vm13 =	veq.s32 v6, $0x0;
	[tilespmem:s11+$0x9040] =	vst v59;
	v3 =	vadd.s32 v3, v58;
	v61 =	vmul.u32 $0x300, v9  }
0x1a3: {  	s10 =	sadd.s32 $0x1, s10;
	v62 =	vsel vm13, $0x3F800000, v1;
	[tilespmem:s11+$0x8050] =	vst v3  }
0x1a4: {  	p0 =	sne.s32 s10, $0x8;
	[tilespmem:s11+$0x9050] =	vst v62;
	vm14 =	veq.s32 v7, $0x0;
	v2 =	vadd.s32 v2, v61;
	v3 =	vmul.u32 $0x300, v10  }
.Ltmp5:
0x1a5: {  	v63 =	vsel vm14, $0x3F800000, v1;
	[tilespmem:s11+$0x8060] =	vst v2;
	(pc) =	sbr.rel @p0 .LBB2_4-.Ltmp5, $4  }
0x1a6: {  	[tilespmem:s11+$0x9060] =	vst v63;
	vm15 =	veq.s32 v60, $0x0;
	v2 =	vadd.s32 v57, v3  }
0x1a7: {  	v3 =	vsel vm15, $0x3F800000, v1;
	[tilespmem:s11+$0x8070] =	vst v2  }
0x1a8: {  	s16 =	sadd.s32 $0x8000, s11;
	s17 =	sadd.s32 $0x9000, s11;
	[tilespmem:s11+$0x9070] =	vst v3  }
0x1a9: {  	[spmem:s5] =	stream.indirect.scatter.add.f32 [tilespmem:s17], [sflag:$0x3], $0x1, s16, s24, $0xb8;
	[tilespmem:$0x1AE00] =	vst v63  }
0x1aa: {  	_ =	swait.ge [sflag:s28], $0x80  }
0x1ab: {  	[sflag:s28] =	ssyncset.done $0x0  }
0x1ac: {  	[sflag:s28] =	ssyncadd.s32 $0xFFFFFF80  }
0x1ad: {  	_ =	swait.ge [sflag:s28], $0x80  }
0x1ae: {  	[sflag:s28] =	ssyncset.done $0x0  }
0x1af: {  	[sflag:s28] =	ssyncadd.s32 $0xFFFFFF80  }
0x1b0: {  	_ =	swait.ge [sflag:s28], $0x80  }
0x1b1: {  	[sflag:s28] =	ssyncset.done $0x0  }
0x1b2: {  	[sflag:s28] =	ssyncadd.s32 $0xFFFFFF80  }
0x1b3: {  	_ =	swait.ge [sflag:s28], $0x80  }
0x1b4: {  	[sflag:s28] =	ssyncset.done $0x0  }
0x1b5: {  	[sflag:s28] =	ssyncadd.s32 $0xFFFFFF80  }
0x1b6: {  	_ =	swait.ge [sflag:s28], $0x80  }
0x1b7: {  	[sflag:s28] =	ssyncset.done $0x0  }
0x1b8: {  	[sflag:s28] =	ssyncadd.s32 $0xFFFFFF80  }
0x1b9: {  	_ =	swait.ge [sflag:s28], $0x80  }
0x1ba: {  	[sflag:s28] =	ssyncset.done $0x0  }
0x1bb: {  	[sflag:s28] =	ssyncadd.s32 $0xFFFFFF80  }
0x1bc: {  	_ =	swait.ge [sflag:s28], $0x80  }
0x1bd: {  	[sflag:s28] =	ssyncset.done $0x0  }
0x1be: {  	[sflag:s28] =	ssyncadd.s32 $0xFFFFFF80  }
0x1bf: {  	_ =	swait.ge [sflag:s28], $0x80  }
0x1c0: {  	[sflag:s28] =	ssyncset.done $0x0  }
0x1c1: {  	[sflag:s28] =	ssyncadd.s32 $0xFFFFFF80  }
0x1c2: {  	_ =	swait.ge [sflag:s28], $0x80  }
0x1c3: {  	[sflag:s28] =	ssyncset.done $0x0  }
0x1c4: {  	[sflag:s28] =	ssyncadd.s32 $0xFFFFFF80  }
0x1c5: {  	_ =	swait.ge [sflag:s28], $0x80  }
0x1c6: {  	[sflag:s28] =	ssyncset.done $0x0  }
0x1c7: {  	[sflag:s28] =	ssyncadd.s32 $0xFFFFFF80  }
0x1c8: {  	_ =	swait.ge [sflag:s28], $0x80  }
0x1c9: {  	[sflag:s28] =	ssyncset.done $0x0  }
0x1ca: {  	[sflag:s28] =	ssyncadd.s32 $0xFFFFFF80  }
0x1cb: {  	_ =	swait.ge [sflag:s28], $0x80  }
0x1cc: {  	[sflag:s28] =	ssyncset.done $0x0  }
0x1cd: {  	[sflag:s28] =	ssyncadd.s32 $0xFFFFFF80  }
0x1ce: {  	_ =	swait.ge [sflag:s28], $0x80  }
0x1cf: {  	[sflag:s28] =	ssyncset.done $0x0  }
0x1d0: {  	[sflag:s28] =	ssyncadd.s32 $0xFFFFFF80  }
0x1d1: {  	_ =	swait.ge [sflag:s28], $0x80  }
0x1d2: {  	[sflag:s28] =	ssyncset.done $0x0  }
0x1d3: {  	[sflag:s28] =	ssyncadd.s32 $0xFFFFFF80  }
0x1d4: {  	_ =	swait.ge [sflag:s28], $0x80  }
0x1d5: {  	[sflag:s28] =	ssyncset.done $0x0  }
0x1d6: {  	[sflag:s28] =	ssyncadd.s32 $0xFFFFFF80  }
0x1d7: {  	_ =	swait.ge [sflag:s28], $0x80  }
0x1d8: {  	[sflag:s28] =	ssyncset.done $0x0  }
0x1d9: {  	[sflag:s28] =	ssyncadd.s32 $0xFFFFFF80  }
0x1da: {  	_ =	swait.ge [sflag:s28], $0x80  }
0x1db: {  	[sflag:s28] =	ssyncset.done $0x0  }
0x1dc: {  	[sflag:s28] =	ssyncadd.s32 $0xFFFFFF80  }
0x1dd: {  	_ =	swait.ge [sflag:s28], $0x80  }
0x1de: {  	[sflag:s28] =	ssyncset.done $0x0  }
0x1df: {  	[sflag:s28] =	ssyncadd.s32 $0xFFFFFF80  }
0x1e0: {  	_ =	swait.ge [sflag:s28], $0x80  }
0x1e1: {  	[sflag:s28] =	ssyncset.done $0x0  }
0x1e2: {  	[sflag:s28] =	ssyncadd.s32 $0xFFFFFF80  }
0x1e3: {  	_ =	swait.ge [sflag:s28], $0x80  }
0x1e4: {  	[sflag:s28] =	ssyncset.done $0x0  }
0x1e5: {  	[sflag:s28] =	ssyncadd.s32 $0xFFFFFF80  }
0x1e6: {  	_ =	swait.ge [sflag:s28], $0x80  }
0x1e7: {  	[sflag:s28] =	ssyncset.done $0x0  }
0x1e8: {  	[sflag:s28] =	ssyncadd.s32 $0xFFFFFF80  }
0x1e9: {  	_ =	swait.ge [sflag:s28], $0x80  }
0x1ea: {  	[sflag:s28] =	ssyncset.done $0x0  }
0x1eb: {  	[sflag:s28] =	ssyncadd.s32 $0xFFFFFF80  }
0x1ec: {  	_ =	swait.ge [sflag:s28], $0x80  }
0x1ed: {  	[sflag:s28] =	ssyncset.done $0x0  }
0x1ee: {  	[sflag:s28] =	ssyncadd.s32 $0xFFFFFF80  }
0x1ef: {  	_ =	swait.ge [sflag:s28], $0x80  }
0x1f0: {  	[sflag:s28] =	ssyncset.done $0x0  }
0x1f1: {  	[sflag:s28] =	ssyncadd.s32 $0xFFFFFF80  }
0x1f2: {  	_ =	swait.ge [sflag:s28], $0x80  }
0x1f3: {  	[sflag:s28] =	ssyncset.done $0x0  }
0x1f4: {  	[sflag:s28] =	ssyncadd.s32 $0xFFFFFF80  }
0x1f5: {  	_ =	swait.ge [sflag:s28], $0x80  }
0x1f6: {  	[sflag:s28] =	ssyncset.done $0x0  }
0x1f7: {  	[sflag:s28] =	ssyncadd.s32 $0xFFFFFF80  }
0x1f8: {  	_ =	swait.ge [sflag:s28], $0x80  }
0x1f9: {  	[sflag:s28] =	ssyncset.done $0x0  }
0x1fa: {  	[sflag:s28] =	ssyncadd.s32 $0xFFFFFF80  }
0x1fb: {  	_ =	swait.ge [sflag:s28], $0x80  }
0x1fc: {  	[sflag:s28] =	ssyncset.done $0x0  }
0x1fd: {  	[sflag:s28] =	ssyncadd.s32 $0xFFFFFF80  }
0x1fe: {  	_ =	swait.ge [sflag:s28], $0x80  }
0x1ff: {  	[sflag:s28] =	ssyncset.done $0x0  }
0x200: {  	[sflag:s28] =	ssyncadd.s32 $0xFFFFFF80  }
0x201: {  	_ =	swait.ge [sflag:s28], $0x80  }
0x202: {  	[sflag:s28] =	ssyncset.done $0x0  }
0x203: {  	[sflag:s28] =	ssyncadd.s32 $0xFFFFFF80  }
0x204: {  	_ =	swait.ge [sflag:s28], $0x80  }
0x205: {  	[sflag:s28] =	ssyncset.done $0x0  }
0x206: {  	[sflag:s28] =	ssyncadd.s32 $0xFFFFFF80  }
0x207: {  	_ =	swait.ge [sflag:s28], $0x80  }
0x208: {  	[sflag:s28] =	ssyncset.done $0x0  }
0x209: {  	[sflag:s28] =	ssyncadd.s32 $0xFFFFFF80  }
0x20a: {  	_ =	swait.ge [sflag:s25], $0x80  }
0x20b: {  	[sflag:s25] =	ssyncset.done $0x0  }
0x20c: {  	[sflag:s25] =	ssyncadd.s32 $0xFFFFFF80  }
0x20d: {  	_ =	swait.ge [sflag:s25], $0x80  }
0x20e: {  	[sflag:s25] =	ssyncset.done $0x0  }
0x20f: {  	[sflag:s25] =	ssyncadd.s32 $0xFFFFFF80  }
0x210: {  	_ =	swait.ge [sflag:s25], $0x80  }
0x211: {  	[sflag:s25] =	ssyncset.done $0x0  }
0x212: {  	[sflag:s25] =	ssyncadd.s32 $0xFFFFFF80  }
0x213: {  	_ =	swait.ge [sflag:s25], $0x80  }
0x214: {  	[sflag:s25] =	ssyncset.done $0x0  }
0x215: {  	[sflag:s25] =	ssyncadd.s32 $0xFFFFFF80  }
0x216: {  	_ =	swait.ge [sflag:s25], $0x80  }
0x217: {  	[sflag:s25] =	ssyncset.done $0x0  }
0x218: {  	[sflag:s25] =	ssyncadd.s32 $0xFFFFFF80  }
0x219: {  	_ =	swait.ge [sflag:s25], $0x80  }
0x21a: {  	[sflag:s25] =	ssyncset.done $0x0  }
0x21b: {  	[sflag:s25] =	ssyncadd.s32 $0xFFFFFF80  }
0x21c: {  	_ =	swait.ge [sflag:s25], $0x80  }
0x21d: {  	[sflag:s25] =	ssyncset.done $0x0  }
0x21e: {  	[sflag:s25] =	ssyncadd.s32 $0xFFFFFF80  }
0x21f: {  	_ =	swait.ge [sflag:s25], $0x80  }
0x220: {  	[sflag:s25] =	ssyncset.done $0x0  }
0x221: {  	[sflag:s25] =	ssyncadd.s32 $0xFFFFFF80  }
0x222: {  	_ =	swait.ge [sflag:s25], $0x80  }
0x223: {  	[sflag:s25] =	ssyncset.done $0x0  }
0x224: {  	[sflag:s25] =	ssyncadd.s32 $0xFFFFFF80  }
0x225: {  	_ =	swait.ge [sflag:s25], $0x80  }
0x226: {  	[sflag:s25] =	ssyncset.done $0x0  }
0x227: {  	[sflag:s25] =	ssyncadd.s32 $0xFFFFFF80  }
0x228: {  	_ =	swait.ge [sflag:s25], $0x80  }
0x229: {  	[sflag:s25] =	ssyncset.done $0x0  }
0x22a: {  	[sflag:s25] =	ssyncadd.s32 $0xFFFFFF80  }
0x22b: {  	_ =	swait.ge [sflag:s25], $0x80  }
0x22c: {  	[sflag:s25] =	ssyncset.done $0x0  }
0x22d: {  	[sflag:s25] =	ssyncadd.s32 $0xFFFFFF80  }
0x22e: {  	_ =	swait.ge [sflag:s25], $0x80  }
0x22f: {  	[sflag:s25] =	ssyncset.done $0x0  }
0x230: {  	[sflag:s25] =	ssyncadd.s32 $0xFFFFFF80  }
0x231: {  	_ =	swait.ge [sflag:s25], $0x80  }
0x232: {  	[sflag:s25] =	ssyncset.done $0x0  }
0x233: {  	[sflag:s25] =	ssyncadd.s32 $0xFFFFFF80  }
0x234: {  	_ =	swait.ge [sflag:s25], $0x80  }
0x235: {  	[sflag:s25] =	ssyncset.done $0x0  }
0x236: {  	[sflag:s25] =	ssyncadd.s32 $0xFFFFFF80  }
0x237: {  	_ =	swait.ge [sflag:s25], $0x80  }
0x238: {  	[sflag:s25] =	ssyncset.done $0x0  }
0x239: {  	[sflag:s25] =	ssyncadd.s32 $0xFFFFFF80  }
0x23a: {  	_ =	swait.ge [sflag:s25], $0x80  }
0x23b: {  	[sflag:s25] =	ssyncset.done $0x0  }
0x23c: {  	[sflag:s25] =	ssyncadd.s32 $0xFFFFFF80  }
0x23d: {  	_ =	swait.ge [sflag:s25], $0x80  }
0x23e: {  	[sflag:s25] =	ssyncset.done $0x0  }
0x23f: {  	[sflag:s25] =	ssyncadd.s32 $0xFFFFFF80  }
0x240: {  	_ =	swait.ge [sflag:s25], $0x80  }
0x241: {  	[sflag:s25] =	ssyncset.done $0x0  }
0x242: {  	[sflag:s25] =	ssyncadd.s32 $0xFFFFFF80  }
0x243: {  	_ =	swait.ge [sflag:s25], $0x80  }
0x244: {  	[sflag:s25] =	ssyncset.done $0x0  }
0x245: {  	[sflag:s25] =	ssyncadd.s32 $0xFFFFFF80  }
0x246: {  	_ =	swait.ge [sflag:s25], $0x80  }
0x247: {  	[sflag:s25] =	ssyncset.done $0x0  }
0x248: {  	[sflag:s25] =	ssyncadd.s32 $0xFFFFFF80  }
0x249: {  	_ =	swait.ge [sflag:s25], $0x80  }
0x24a: {  	[sflag:s25] =	ssyncset.done $0x0  }
0x24b: {  	[sflag:s25] =	ssyncadd.s32 $0xFFFFFF80  }
0x24c: {  	_ =	swait.ge [sflag:s25], $0x80  }
0x24d: {  	[sflag:s25] =	ssyncset.done $0x0  }
0x24e: {  	[sflag:s25] =	ssyncadd.s32 $0xFFFFFF80  }
0x24f: {  	_ =	swait.ge [sflag:s25], $0x80  }
0x250: {  	[sflag:s25] =	ssyncset.done $0x0  }
0x251: {  	[sflag:s25] =	ssyncadd.s32 $0xFFFFFF80  }
0x252: {  	_ =	swait.ge [sflag:s25], $0x80  }
0x253: {  	[sflag:s25] =	ssyncset.done $0x0  }
0x254: {  	[sflag:s25] =	ssyncadd.s32 $0xFFFFFF80  }
0x255: {  	_ =	swait.ge [sflag:s25], $0x80  }
0x256: {  	[sflag:s25] =	ssyncset.done $0x0  }
0x257: {  	[sflag:s25] =	ssyncadd.s32 $0xFFFFFF80  }
0x258: {  	_ =	swait.ge [sflag:s25], $0x80  }
0x259: {  	[sflag:s25] =	ssyncset.done $0x0  }
0x25a: {  	[sflag:s25] =	ssyncadd.s32 $0xFFFFFF80  }
0x25b: {  	_ =	swait.ge [sflag:s25], $0x80  }
0x25c: {  	[sflag:s25] =	ssyncset.done $0x0  }
0x25d: {  	[sflag:s25] =	ssyncadd.s32 $0xFFFFFF80  }
0x25e: {  	_ =	swait.ge [sflag:s25], $0x80  }
0x25f: {  	[sflag:s25] =	ssyncset.done $0x0  }
0x260: {  	[sflag:s25] =	ssyncadd.s32 $0xFFFFFF80  }
0x261: {  	_ =	swait.ge [sflag:s25], $0x80  }
0x262: {  	[sflag:s25] =	ssyncset.done $0x0  }
0x263: {  	[sflag:s25] =	ssyncadd.s32 $0xFFFFFF80  }
0x264: {  	_ =	swait.ge [sflag:s25], $0x80  }
0x265: {  	[sflag:s25] =	ssyncset.done $0x0  }
0x266: {  	s10 =	sshrl.u32 s15, $0x3;
	s17 =	simm.s32 $0x0;
	[sflag:s25] =	ssyncadd.s32 $0xFFFFFF80  }
0x267: {  	s11 =	simm.s32 $0x80;
	s16 =	sadd.s32 $0x1, s15;
	_ =	swait.ge [sflag:s25], $0x80  }
0x268: {  	s22 =	stileid.u32;
	s10 =	smul.u32 $0x1800, s10;
	[sflag:s25] =	ssyncset.done $0x0  }
0x269: {  	s19 =	sand.u32 $0x380, s17;
	s17 =	smov.u32 s12;
	[sflag:s25] =	ssyncadd.s32 $0xFFFFFF80  }
0x26a: {  	s18 =	sadd.s32 s14, s10;
	s10 =	sshll.u32 s22, $0x6;
	[bflag:$0x0] =	sbarrier.arrive $0xFFFF  }
.LBB2_14:
0x26b: {  	s20 =	sshrl.u32 s16, $0x3;
	s18 =	sor.u32 s19, s18;
	s19 =	sshrl.u32 s17, $0x3  }
0x26c: {  	s21 =	smov.u32 s11;
	p0 =	sne.s32 s11, $0x2780;
	s20 =	smul.u32 $0x1800, s20  }
.Ltmp6:
0x26d: {  	s22 =	sor.u32 $0x1C01, s10;
	s18 =	sshrl.u32 s18, $0x3;
	(pc) =	sbr.rel @p0 .LBB2_14-.Ltmp6, $4  }
0x26e: {  	s11 =	sadd.s32 $0x80, s11;
	s18 =	sadd.s32 s8, s18  }
0x26f: {  	[hbm:s18@s24], [sflag:s22] =	dma.strided [spmem:s19@s4], $0x60, s29, $0x10   }
0x270: {  	s16 =	sadd.s32 $0x1, s16;
	s17 =	sadd.s32 $0x300, s17  }
0x271: {  	s18 =	sadd.s32 s14, s20;
	s19 =	sand.u32 $0x380, s21  }
0x272: {  	s11 =	sor.u32 s19, s18  }
0x273: {  	s11 =	sshrl.u32 s11, $0x3  }
0x274: {  	s16 =	sshrl.u32 s17, $0x3;
	s10 =	sor.u32 $0x1C01, s10;
	s11 =	sadd.s32 s8, s11  }
0x275: {  	[hbm:s11@s24], [sflag:s10] =	dma.strided [spmem:s16@s4], $0x60, s29, $0x10   }
0x276: {  	_ =	swait.ge [sflag:s29], $0x60  }
0x277: {  	s10 =	simm.s32 $0x4F;
	[sflag:s29] =	ssyncset.done $0x0  }
.LBB2_16:
0x278: {  	p0 =	sne.s32 s10, $0x1;
	s10 =	sadd.s32 $0xFFFFFFFF, s10;
	[sflag:s29] =	ssyncadd.s32 $0xFFFFFFA0  }
.Ltmp7:
0x279: {  	(pc) =	sbr.rel @p0 .LBB2_16-.Ltmp7, $3  }
0x27a: {  	_ =	sdelay $0x1  }
0x27b: {  	_ =	swait.ge [sflag:s29], $0x60  }
0x27c: {  	[sflag:s29] =	ssyncset.done $0x0  }
0x27d: {  	s9 =	sadd.s32 $0x1, s9;
	s10 =	rddreg [dreg:$0x9]  }
0x27e: {  	p0 =	sne.s32 s9, s10  }
.Ltmp8:
0x27f: {  	_ = 	snop;
	(pc) =	sbr.rel @p0 .LBB2_1-.Ltmp8, $2  }
0x280: {  	_ =	sdelay $0x2  }
0x281: {  	[sflag:s29] =	ssyncadd.s32 $0xFFFFFFA0  }
0x282: {  	_ =	sfence.sel $0x180000  }
0x283: {  	[bflag:$0x0] =	sbarrier.arrive $0xFFFF  }
0x284: {  	_ =	strace $0x90000047  }
0x285: {  	s0 =	stileid.u32;
	[bflag:$0x2] =	sbarrier.arrive $0xFFFF  }
0x286: {  	p0 =	sne.s32 s0, $0x0;
	s0 =	rddreg [dreg:$0x5]  }
0x287: {  	s0 =	sadd.s32 @!p0 $0x100000, s0  }
0x288: {  	[sflag:s0] =	ssyncadd.tile.s32 @!p0 $0x1;
	_ =	shalt  }
.Lfunc_end2:
_tile_overlayer_lowered:
.L_overlay_start_2:
0x289: {  	(tag) =	ssettag $0x2  }
0x28a: {  	s0 =	rddreg [dreg:$0x0];
	s2 =	stileid.u32  }
0x28b: {  	s1 =	rddreg [dreg:$0x1];
	p0 =	sne.s32 s2, $0x0  }
0x28c: {  	s3 =	rddreg [dreg:$0x2];
	[bflag:$0x3] =	sbarrier.arrive $0xFFFF;
	s2 =	simm.s32 @!p0 $0x1C04  }
0x28d: {  	[timem:s3], [sflag:s2] =	dma.local @!p0 [hbm:s0], s1  }
0x28e: {  	s0 =	simm.s32 @!p0 $0x4  }
0x28f: {  	_ =	swait.ge @!p0 [sflag:s0], s1  }
0x290: {  	s1 =	ssub.s32 @!p0 $0x0, s1;
	[sflag:s0] =	ssyncset.done @!p0 $0x0  }
0x291: {  	[sflag:s0] =	ssyncadd.s32 @!p0 s1  }
0x292: {  	[bflag:$0x3] =	sbarrier.arrive $0xFFFF  }
0x293: {  	_ =	shalt  }

</sc_bundles>
